<compile_context>
chip_gen: v7x
topology: tpu7x:2x2x1
jax: 0.10.2.dev20260603
libtpu: 0.0.44.dev20260713+nightly
codegen_flags: <defaults>
</compile_context>

<pallas_src>
import jax
import jax.numpy as jnp
from jax import lax
from jax.experimental import pallas as pl
from jax.experimental.pallas import tpu as pltpu
from jax.experimental.pallas import tpu_sc as plsc

N = 320000
D = 128
S = 10000

L = 16
NV = D // L
NC = 2
NS = 16
NW = NC * NS
C = N // NW
RB = 200
NBLK = N // RB
BPW = C // RB

NEG_INF = float("-inf")


def _sc_body(data_hbm, ids_hbm, excl_hbm, out_hbm,
             datbuf, idsbuf, exclbuf, stagebuf, zerobuf, prevbuf, accbuf, st):
    wid = lax.axis_index("s") * NC + lax.axis_index("c")
    start = wid * C
    end = start + C
    g0 = wid * BPW

    zv = jnp.zeros((L,), jnp.float32)
    ninf = jnp.full((L,), NEG_INF, jnp.float32)
    for k in range(NV):
        zerobuf[k * L:(k + 1) * L] = zv
        accbuf[k * L:(k + 1) * L] = ninf

    st[0] = jnp.int32(0)
    st[1] = jnp.int32(-1)
    st[2] = jnp.int32(0)
    st[3] = jnp.int32(S)

    prevbuf[0:L] = jnp.full((L,), -1, jnp.int32)

    @pl.when(wid > 0)
    def _():
        pltpu.sync_copy(ids_hbm.at[pl.ds(start - 8, 8)], prevbuf.at[pl.ds(0, 8)])

    prev = jnp.where(wid > 0, prevbuf[0:L][7], jnp.int32(-1))

    def flush_gap(cur, nxt, accs):
        @pl.when(cur >= 0)
        def _():
            for k in range(NV):
                stagebuf[k * L:(k + 1) * L] = accs[k]
            pltpu.sync_copy(stagebuf, out_hbm.at[cur])

        lo = jnp.where(cur >= 0, cur + 1,
                       jnp.where(wid == 0, jnp.int32(0), nxt))

        def gap_body(s, c):
            pltpu.sync_copy(zerobuf, out_hbm.at[s])
            return c

        lax.fori_loop(lo, nxt, gap_body, jnp.int32(0))

    def outer_body(g, carry):
        @pl.when(st[0] == 0)
        def _():
            base = g * RB
            pltpu.sync_copy(data_hbm.at[pl.ds(base, RB), :], datbuf)
            pltpu.sync_copy(ids_hbm.at[pl.ds(base, RB)],
                            idsbuf.at[pl.ds(0, RB)])
            pltpu.sync_copy(excl_hbm.at[pl.ds(base, RB)],
                            exclbuf.at[pl.ds(0, RB)])

            cur0 = st[1]
            own0 = st[2] != 0
            nf0 = st[3]
            accs0 = tuple(accbuf[k * L:(k + 1) * L] for k in range(NV))

            def body(i, carry):
                cur, own, done, nf, accs = carry
                r = base + i
                sid = idsbuf[pl.ds(i, L)][0]
                e = exclbuf[pl.ds(i, L)][0]
                is_new = sid != cur
                not_own = jnp.logical_not(own)
                past = r >= end
                not_done = jnp.logical_not(done)
                stop_now = past & (not_own | is_new) & not_done
                act = not_done & jnp.logical_not(stop_now)
                skip = not_own & (sid == prev) & act
                go = act & jnp.logical_not(skip)
                trans = go & is_new

                @pl.when(trans)
                def _():
                    flush_gap(cur, sid, accs)

                m = (jnp.int32(1) - e).astype(jnp.float32)
                new_accs = []
                for k in range(NV):
                    a = jnp.where(trans, ninf, accs[k])
                    contrib = datbuf[i, k * L:(k + 1) * L] * m
                    new_accs.append(jnp.where(go, jnp.maximum(a, contrib), a))
                cur2 = jnp.where(trans, sid, cur)
                own2 = own | trans
                done2 = done | stop_now
                nf2 = jnp.where(stop_now, sid, nf)
                return (cur2, own2, done2, nf2, tuple(new_accs))

            carry0 = (cur0, own0, jnp.bool_(False), nf0, accs0)
            cur, own, done, nf, accs = lax.fori_loop(0, RB, body, carry0)

            st[1] = cur
            st[2] = own.astype(jnp.int32)
            st[3] = nf
            st[0] = done.astype(jnp.int32)
            for k in range(NV):
                accbuf[k * L:(k + 1) * L] = accs[k]

        return carry

    lax.fori_loop(g0, NBLK, outer_body, jnp.int32(0))

    cur_f = st[1]
    nf_f = st[3]
    accs_f = tuple(accbuf[k * L:(k + 1) * L] for k in range(NV))
    flush_gap(cur_f, nf_f, accs_f)


@jax.jit
def kernel(data, segment_ids, exclude_mask):
    ids = segment_ids.astype(jnp.int32)
    excl = exclude_mask.astype(jnp.int32)
    mesh = plsc.VectorSubcoreMesh(core_axis_name="c", subcore_axis_name="s")
    run = pl.kernel(
        _sc_body,
        mesh=mesh,
        out_type=jax.ShapeDtypeStruct((S, D), jnp.float32),
        scratch_types=[
            pltpu.VMEM((RB, D), jnp.float32),
            pltpu.VMEM((RB + L,), jnp.int32),
            pltpu.VMEM((RB + L,), jnp.int32),
            pltpu.VMEM((D,), jnp.float32),
            pltpu.VMEM((D,), jnp.float32),
            pltpu.VMEM((L,), jnp.int32),
            pltpu.VMEM((D,), jnp.float32),
            pltpu.SMEM((8,), jnp.int32),
        ],
    )
    return run(data, ids, excl)

# --- scband reference (transcript-rebuilt; emitter-appended) ---
"""Pipeline reference for scband-sparse-reducer-90580860273060 (READ-ONLY COPY).

The authoritative reference and input builder live on the scoring server;
editing this copy changes nothing except your own understanding.
"""

import jax, jax.numpy as jnp
import numpy as np

N = 320000  # n_edges (entries of the sparse tensor)
D = 128     # feature dim per entry
S = 10000   # n_nodes (output segments after reducing one arity)

def setup_inputs(seed: int = 0) -> dict:
    key = jax.random.key(seed)
    k1, k2, k3 = jax.random.split(key, 3)
    data = jax.random.normal(k1, (N, D), dtype=jnp.float32)
    segment_ids = jnp.sort(jax.random.randint(k2, (N,), 0, S, dtype=jnp.int64))
    exclude_mask = jax.random.randint(k3, (N,), 0, 2, dtype=jnp.int32).astype(jnp.bool_)
    return {"data": data, "segment_ids": segment_ids, "exclude_mask": exclude_mask}

def reference(data, segment_ids, exclude_mask):
    # SparseReducer.forward with dim > 1:
    #   v.val[exclude_mask, :] = 0   (zero out self-entries)
    #   v.reduce_arity('max')        (segment max over the reduced arity)
    vals = jnp.where(exclude_mask[:, None], jnp.zeros_like(data), data)
    out = jax.ops.segment_max(vals, segment_ids, num_segments=S)
    # empty segments produce -inf from segment_max; zero-fill them (sparse default value)
    out = jnp.where(jnp.isneginf(out), jnp.zeros_like(out), out)
    return out

if __name__ == "__main__":
    import jax
    _d = setup_inputs()
    print(jax.jit(kernel)(*tuple(_d.values())))

</pallas_src>

<mosaic_0001>
#map = affine_map<(d0, d1) -> (0, 0)>
#map1 = affine_map<(d0, d1) -> (0)>
module attributes {stable_mosaic.version = 14 : i64} {
  func.func @_sc_body(%arg0: i32, %arg1: i32, %arg2: memref<320000x128xf32, #tpu.memory_space<hbm>>, %arg3: memref<320000xi32, #tpu.memory_space<hbm>>, %arg4: memref<320000xi32, #tpu.memory_space<hbm>>, %arg5: memref<10000x128xf32, #tpu.memory_space<hbm>>, %arg6: memref<200x128xf32, #tpu.memory_space<vmem>>, %arg7: memref<216xi32, #tpu.memory_space<vmem>>, %arg8: memref<216xi32, #tpu.memory_space<vmem>>, %arg9: memref<128xf32, #tpu.memory_space<vmem>>, %arg10: memref<128xf32, #tpu.memory_space<vmem>>, %arg11: memref<16xi32, #tpu.memory_space<vmem>>, %arg12: memref<128xf32, #tpu.memory_space<vmem>>, %arg13: memref<8xi32, #tpu.memory_space<smem>>) attributes {dimension_semantics = [#tpu.dimension_semantics<core_parallel>, #tpu.dimension_semantics<subcore_parallel>], iteration_bounds = array<i64: 2, 16>, scalar_prefetch = 0 : i64, scratch_operands = 8 : i64, tpu.core_type = #tpu.core_type<sc_vector_subcore>, window_params = [{transform_indices = #map}, {transform_indices = #map1}, {transform_indices = #map1}, {transform_indices = #map}]} {
    %mul3A = arith.constant 2 : i32
    %mul3A_0 = arith.muli %arg1, %mul3A : i32
    %add3A = arith.addi %mul3A_0, %arg0 : i32
    %mul3A_1 = arith.constant 10000 : i32
    %mul3A_2 = arith.muli %add3A, %mul3A_1 : i32
    %add3A_3 = arith.constant 10000 : i32
    %add3A_4 = arith.addi %mul3A_2, %add3A_3 : i32
    %mul3A_5 = arith.constant 50 : i32
    %mul3A_6 = arith.muli %add3A, %mul3A_5 : i32
    %broadcast_in_dim3A = arith.constant 0.000000e+00 : f32
    %broadcast_in_dim3A_7 = vector.broadcast %broadcast_in_dim3A : f32 to vector<16xf32>
    %broadcast_in_dim3A_8 = arith.constant 0xFF800000 : f32
    %broadcast_in_dim3A_9 = vector.broadcast %broadcast_in_dim3A_8 : f32 to vector<16xf32>
    %swap3A = arith.constant 0 : index
    %swap3A_10 = tpu.vector_load %arg10[%swap3A] {strides = array<i32>} : memref<128xf32, #tpu.memory_space<vmem>>, vector<16xf32>,
    %swap3A_11 = vector.shape_cast %swap3A_10 : vector<16xf32> to vector<16xf32>
    %swap3A_12 = vector.shape_cast %broadcast_in_dim3A_7 : vector<16xf32> to vector<16xf32>
    tpu.vector_store %arg10[%swap3A], %swap3A_12 {strides = array<i32>} : memref<128xf32, #tpu.memory_space<vmem>>, vector<16xf32>,
    %swap3A_13 = arith.constant 0 : index
    %swap3A_14 = tpu.vector_load %arg12[%swap3A_13] {strides = array<i32>} : memref<128xf32, #tpu.memory_space<vmem>>, vector<16xf32>,
    %swap3A_15 = vector.shape_cast %swap3A_14 : vector<16xf32> to vector<16xf32>
    %swap3A_16 = vector.shape_cast %broadcast_in_dim3A_9 : vector<16xf32> to vector<16xf32>
    tpu.vector_store %arg12[%swap3A_13], %swap3A_16 {strides = array<i32>} : memref<128xf32, #tpu.memory_space<vmem>>, vector<16xf32>,
    %swap3A_17 = arith.constant 16 : index
    %swap3A_18 = tpu.vector_load %arg10[%swap3A_17] {strides = array<i32>} : memref<128xf32, #tpu.memory_space<vmem>>, vector<16xf32>,
    %swap3A_19 = vector.shape_cast %swap3A_18 : vector<16xf32> to vector<16xf32>
    %swap3A_20 = vector.shape_cast %broadcast_in_dim3A_7 : vector<16xf32> to vector<16xf32>
    tpu.vector_store %arg10[%swap3A_17], %swap3A_20 {strides = array<i32>} : memref<128xf32, #tpu.memory_space<vmem>>, vector<16xf32>,
    %swap3A_21 = arith.constant 16 : index
    %swap3A_22 = tpu.vector_load %arg12[%swap3A_21] {strides = array<i32>} : memref<128xf32, #tpu.memory_space<vmem>>, vector<16xf32>,
    %swap3A_23 = vector.shape_cast %swap3A_22 : vector<16xf32> to vector<16xf32>
    %swap3A_24 = vector.shape_cast %broadcast_in_dim3A_9 : vector<16xf32> to vector<16xf32>
    tpu.vector_store %arg12[%swap3A_21], %swap3A_24 {strides = array<i32>} : memref<128xf32, #tpu.memory_space<vmem>>, vector<16xf32>,
    %swap3A_25 = arith.constant 32 : index
    %swap3A_26 = tpu.vector_load %arg10[%swap3A_25] {strides = array<i32>} : memref<128xf32, #tpu.memory_space<vmem>>, vector<16xf32>,
    %swap3A_27 = vector.shape_cast %swap3A_26 : vector<16xf32> to vector<16xf32>
    %swap3A_28 = vector.shape_cast %broadcast_in_dim3A_7 : vector<16xf32> to vector<16xf32>
    tpu.vector_store %arg10[%swap3A_25], %swap3A_28 {strides = array<i32>} : memref<128xf32, #tpu.memory_space<vmem>>, vector<16xf32>,
    %swap3A_29 = arith.constant 32 : index
    %swap3A_30 = tpu.vector_load %arg12[%swap3A_29] {strides = array<i32>} : memref<128xf32, #tpu.memory_space<vmem>>, vector<16xf32>,
    %swap3A_31 = vector.shape_cast %swap3A_30 : vector<16xf32> to vector<16xf32>
    %swap3A_32 = vector.shape_cast %broadcast_in_dim3A_9 : vector<16xf32> to vector<16xf32>
    tpu.vector_store %arg12[%swap3A_29], %swap3A_32 {strides = array<i32>} : memref<128xf32, #tpu.memory_space<vmem>>, vector<16xf32>,
    %swap3A_33 = arith.constant 48 : index
    %swap3A_34 = tpu.vector_load %arg10[%swap3A_33] {strides = array<i32>} : memref<128xf32, #tpu.memory_space<vmem>>, vector<16xf32>,
    %swap3A_35 = vector.shape_cast %swap3A_34 : vector<16xf32> to vector<16xf32>
    %swap3A_36 = vector.shape_cast %broadcast_in_dim3A_7 : vector<16xf32> to vector<16xf32>
    tpu.vector_store %arg10[%swap3A_33], %swap3A_36 {strides = array<i32>} : memref<128xf32, #tpu.memory_space<vmem>>, vector<16xf32>,
    %swap3A_37 = arith.constant 48 : index
    %swap3A_38 = tpu.vector_load %arg12[%swap3A_37] {strides = array<i32>} : memref<128xf32, #tpu.memory_space<vmem>>, vector<16xf32>,
    %swap3A_39 = vector.shape_cast %swap3A_38 : vector<16xf32> to vector<16xf32>
    %swap3A_40 = vector.shape_cast %broadcast_in_dim3A_9 : vector<16xf32> to vector<16xf32>
    tpu.vector_store %arg12[%swap3A_37], %swap3A_40 {strides = array<i32>} : memref<128xf32, #tpu.memory_space<vmem>>, vector<16xf32>,
    %swap3A_41 = arith.constant 64 : index
    %swap3A_42 = tpu.vector_load %arg10[%swap3A_41] {strides = array<i32>} : memref<128xf32, #tpu.memory_space<vmem>>, vector<16xf32>,
    %swap3A_43 = vector.shape_cast %swap3A_42 : vector<16xf32> to vector<16xf32>
    %swap3A_44 = vector.shape_cast %broadcast_in_dim3A_7 : vector<16xf32> to vector<16xf32>
    tpu.vector_store %arg10[%swap3A_41], %swap3A_44 {strides = array<i32>} : memref<128xf32, #tpu.memory_space<vmem>>, vector<16xf32>,
    %swap3A_45 = arith.constant 64 : index
    %swap3A_46 = tpu.vector_load %arg12[%swap3A_45] {strides = array<i32>} : memref<128xf32, #tpu.memory_space<vmem>>, vector<16xf32>,
    %swap3A_47 = vector.shape_cast %swap3A_46 : vector<16xf32> to vector<16xf32>
    %swap3A_48 = vector.shape_cast %broadcast_in_dim3A_9 : vector<16xf32> to vector<16xf32>
    tpu.vector_store %arg12[%swap3A_45], %swap3A_48 {strides = array<i32>} : memref<128xf32, #tpu.memory_space<vmem>>, vector<16xf32>,
    %swap3A_49 = arith.constant 80 : index
    %swap3A_50 = tpu.vector_load %arg10[%swap3A_49] {strides = array<i32>} : memref<128xf32, #tpu.memory_space<vmem>>, vector<16xf32>,
    %swap3A_51 = vector.shape_cast %swap3A_50 : vector<16xf32> to vector<16xf32>
    %swap3A_52 = vector.shape_cast %broadcast_in_dim3A_7 : vector<16xf32> to vector<16xf32>
    tpu.vector_store %arg10[%swap3A_49], %swap3A_52 {strides = array<i32>} : memref<128xf32, #tpu.memory_space<vmem>>, vector<16xf32>,
    %swap3A_53 = arith.constant 80 : index
    %swap3A_54 = tpu.vector_load %arg12[%swap3A_53] {strides = array<i32>} : memref<128xf32, #tpu.memory_space<vmem>>, vector<16xf32>,
    %swap3A_55 = vector.shape_cast %swap3A_54 : vector<16xf32> to vector<16xf32>
    %swap3A_56 = vector.shape_cast %broadcast_in_dim3A_9 : vector<16xf32> to vector<16xf32>
    tpu.vector_store %arg12[%swap3A_53], %swap3A_56 {strides = array<i32>} : memref<128xf32, #tpu.memory_space<vmem>>, vector<16xf32>,
    %swap3A_57 = arith.constant 96 : index
    %swap3A_58 = tpu.vector_load %arg10[%swap3A_57] {strides = array<i32>} : memref<128xf32, #tpu.memory_space<vmem>>, vector<16xf32>,
    %swap3A_59 = vector.shape_cast %swap3A_58 : vector<16xf32> to vector<16xf32>
    %swap3A_60 = vector.shape_cast %broadcast_in_dim3A_7 : vector<16xf32> to vector<16xf32>
    tpu.vector_store %arg10[%swap3A_57], %swap3A_60 {strides = array<i32>} : memref<128xf32, #tpu.memory_space<vmem>>, vector<16xf32>,
    %swap3A_61 = arith.constant 96 : index
    %swap3A_62 = tpu.vector_load %arg12[%swap3A_61] {strides = array<i32>} : memref<128xf32, #tpu.memory_space<vmem>>, vector<16xf32>,
    %swap3A_63 = vector.shape_cast %swap3A_62 : vector<16xf32> to vector<16xf32>
    %swap3A_64 = vector.shape_cast %broadcast_in_dim3A_9 : vector<16xf32> to vector<16xf32>
    tpu.vector_store %arg12[%swap3A_61], %swap3A_64 {strides = array<i32>} : memref<128xf32, #tpu.memory_space<vmem>>, vector<16xf32>,
    %swap3A_65 = arith.constant 112 : index
    %swap3A_66 = tpu.vector_load %arg10[%swap3A_65] {strides = array<i32>} : memref<128xf32, #tpu.memory_space<vmem>>, vector<16xf32>,
    %swap3A_67 = vector.shape_cast %swap3A_66 : vector<16xf32> to vector<16xf32>
    %swap3A_68 = vector.shape_cast %broadcast_in_dim3A_7 : vector<16xf32> to vector<16xf32>
    tpu.vector_store %arg10[%swap3A_65], %swap3A_68 {strides = array<i32>} : memref<128xf32, #tpu.memory_space<vmem>>, vector<16xf32>,
    %swap3A_69 = arith.constant 112 : index
    %swap3A_70 = tpu.vector_load %arg12[%swap3A_69] {strides = array<i32>} : memref<128xf32, #tpu.memory_space<vmem>>, vector<16xf32>,
    %swap3A_71 = vector.shape_cast %swap3A_70 : vector<16xf32> to vector<16xf32>
    %swap3A_72 = vector.shape_cast %broadcast_in_dim3A_9 : vector<16xf32> to vector<16xf32>
    tpu.vector_store %arg12[%swap3A_69], %swap3A_72 {strides = array<i32>} : memref<128xf32, #tpu.memory_space<vmem>>, vector<16xf32>,
    %swap3A_73 = arith.constant 0 : i32
    %swap3A_74 = arith.constant 0 : i32
    %swap3A_75 = arith.index_cast %swap3A_74 : i32 to index
    %swap3A_76 = memref.load %arg13[%swap3A_75] : memref<8xi32, #tpu.memory_space<smem>>
    memref.store %swap3A_73, %arg13[%swap3A_75] : memref<8xi32, #tpu.memory_space<smem>>
    %swap3A_77 = arith.constant -1 : i32
    %swap3A_78 = arith.constant 1 : i32
    %swap3A_79 = arith.index_cast %swap3A_78 : i32 to index
    %swap3A_80 = memref.load %arg13[%swap3A_79] : memref<8xi32, #tpu.memory_space<smem>>
    memref.store %swap3A_77, %arg13[%swap3A_79] : memref<8xi32, #tpu.memory_space<smem>>
    %swap3A_81 = arith.constant 0 : i32
    %swap3A_82 = arith.constant 2 : i32
    %swap3A_83 = arith.index_cast %swap3A_82 : i32 to index
    %swap3A_84 = memref.load %arg13[%swap3A_83] : memref<8xi32, #tpu.memory_space<smem>>
    memref.store %swap3A_81, %arg13[%swap3A_83] : memref<8xi32, #tpu.memory_space<smem>>
    %swap3A_85 = arith.constant 10000 : i32
    %swap3A_86 = arith.constant 3 : i32
    %swap3A_87 = arith.index_cast %swap3A_86 : i32 to index
    %swap3A_88 = memref.load %arg13[%swap3A_87] : memref<8xi32, #tpu.memory_space<smem>>
    memref.store %swap3A_85, %arg13[%swap3A_87] : memref<8xi32, #tpu.memory_space<smem>>
    %broadcast_in_dim3A_89 = arith.constant -1 : i32
    %broadcast_in_dim3A_90 = vector.broadcast %broadcast_in_dim3A_89 : i32 to vector<16xi32>
    %swap3A_91 = arith.constant 0 : index
    %swap3A_92 = tpu.vector_load %arg11[%swap3A_91] {strides = array<i32>} : memref<16xi32, #tpu.memory_space<vmem>>, vector<16xi32>,
    %swap3A_93 = vector.shape_cast %swap3A_92 : vector<16xi32> to vector<16xi32>
    %swap3A_94 = vector.shape_cast %broadcast_in_dim3A_90 : vector<16xi32> to vector<16xi32>
    tpu.vector_store %arg11[%swap3A_91], %swap3A_94 {strides = array<i32>} : memref<16xi32, #tpu.memory_space<vmem>>, vector<16xi32>,
    %gt3A = arith.constant 0 : i32
    %gt3A_95 = arith.cmpi sgt, %add3A, %gt3A : i32
    %convert_element_type3A = arith.extui %gt3A_95 : i1 to i32
    %cond3A = arith.constant 0 : i32
    %cond3A_96 = arith.cmpi ne, %convert_element_type3A, %cond3A : i32
    scf.if %cond3A_96 {
      %sub3A = arith.constant 8 : i32
      %sub3A_161 = arith.subi %mul3A_2, %sub3A : i32
      "tpu.region"() ({
        %run_scoped3A = tpu.sem_alloc : memref<!tpu.dma_semaphore, #tpu.memory_space<semaphore_mem>>
        %dma_start3A = arith.constant 0 : i32
        %dma_start3A_162 = tpu.memref_slice %arg11[%dma_start3A] : memref<16xi32, #tpu.memory_space<vmem>> -> memref<8xi32, #tpu.memory_space<vmem>>
        %dma_start3A_163 = tpu.memref_slice %arg3[%sub3A_161] : memref<320000xi32, #tpu.memory_space<hbm>> -> memref<8xi32, #tpu.memory_space<hbm>>
        %dma_start3A_164 = arith.constant 0 : i32
        %dma_start3A_165 = tpu.memref_slice %arg11[%dma_start3A_164] : memref<16xi32, #tpu.memory_space<vmem>> -> memref<8xi32, #tpu.memory_space<vmem>>
        %dma_start3A_166 = tpu.memref_slice %arg3[%sub3A_161] : memref<320000xi32, #tpu.memory_space<hbm>> -> memref<8xi32, #tpu.memory_space<hbm>>
        tpu.enqueue_dma source(%dma_start3A_166 : memref<8xi32, #tpu.memory_space<hbm>>) target(%dma_start3A_165 : memref<8xi32, #tpu.memory_space<vmem>>) target_semaphore(%run_scoped3A : memref<!tpu.dma_semaphore, #tpu.memory_space<semaphore_mem>>)
        %dma_wait3A = arith.constant 0 : i32
        %dma_wait3A_167 = tpu.memref_slice %arg11[%dma_wait3A] : memref<16xi32, #tpu.memory_space<vmem>> -> memref<8xi32, #tpu.memory_space<vmem>>
        %dma_wait3A_168 = tpu.memref_slice %arg3[%sub3A_161] : memref<320000xi32, #tpu.memory_space<hbm>> -> memref<8xi32, #tpu.memory_space<hbm>>
        %dma_wait3A_169 = arith.constant 0 : i32
        %dma_wait3A_170 = tpu.memref_slice %arg11[%dma_wait3A_169] : memref<16xi32, #tpu.memory_space<vmem>> -> memref<8xi32, #tpu.memory_space<vmem>>
        %dma_wait3A_171 = tpu.memref_slice %arg3[%sub3A_161] : memref<320000xi32, #tpu.memory_space<hbm>> -> memref<8xi32, #tpu.memory_space<hbm>>
        tpu.wait_dma2 semaphore(%run_scoped3A : memref<!tpu.dma_semaphore, #tpu.memory_space<semaphore_mem>>) src(%dma_wait3A_171 : memref<8xi32, #tpu.memory_space<hbm>>) dst(%dma_wait3A_170 : memref<8xi32, #tpu.memory_space<vmem>>)
        tpu.yield
      }) : () -> ()
    } else {
    }
    %gt3A_97 = arith.constant 0 : i32
    %gt3A_98 = arith.cmpi sgt, %add3A, %gt3A_97 : i32
    %get3A = arith.constant 0 : index
    %get3A_99 = tpu.vector_load %arg11[%get3A] {strides = array<i32>} : memref<16xi32, #tpu.memory_space<vmem>>, vector<16xi32>,
    %get3A_100 = vector.shape_cast %get3A_99 : vector<16xi32> to vector<16xi32>
    %slice3A = vector.extract_strided_slice %get3A_100 {offsets = [7], sizes = [1], strides = [1]} : vector<16xi32> to vector<1xi32>
    %squeeze3A = vector.extract %slice3A[0] : i32 from vector<1xi32>
    %jit3A = arith.constant -1 : i32
    %select_n3A = arith.select %gt3A_98, %squeeze3A, %jit3A : i32
    %while3A = arith.constant 0 : i32
    %while3A_101 = arith.constant 1600 : i32
    %while3A_102 = arith.subi %while3A_101, %mul3A_6 : i32
    %while3A_103 = arith.addi %mul3A_6, %while3A_102 : i32
    %while3A_104 = arith.constant 1 : i32
    %while3A_105 = arith.divsi %while3A_102, %while3A_104 : i32
    %while3A_106 = arith.muli %while3A_105, %while3A_104 : i32
    %while3A_107 = arith.addi %mul3A_6, %while3A_106 : i32
    %while3A_108 = arith.constant 1 : i32
    scf.for %while3A_161 = %mul3A_6 to %while3A_107 step %while3A_108  : i32 {
      %get3A_162 = arith.constant 0 : i32
      %get3A_163 = arith.index_cast %get3A_162 : i32 to index
      %get3A_164 = memref.load %arg13[%get3A_163] : memref<8xi32, #tpu.memory_space<smem>>
      %eq3A_165 = arith.constant 0 : i32
      %eq3A_166 = arith.cmpi eq, %get3A_164, %eq3A_165 : i32
      %convert_element_type3A_167 = arith.extui %eq3A_166 : i1 to i32
      %cond3A_168 = arith.constant 0 : i32
      %cond3A_169 = arith.cmpi ne, %convert_element_type3A_167, %cond3A_168 : i32
      scf.if %cond3A_169 {
        %mul3A_170 = arith.constant 200 : i32
        %mul3A_171 = arith.muli %while3A_161, %mul3A_170 : i32
        "tpu.region"() ({
          %run_scoped3A = tpu.sem_alloc : memref<!tpu.dma_semaphore, #tpu.memory_space<semaphore_mem>>
          %dma_start3A = arith.constant 0 : i32
          %dma_start3A_258 = tpu.memref_slice %arg2[%mul3A_171, %dma_start3A] : memref<320000x128xf32, #tpu.memory_space<hbm>> -> memref<200x128xf32, #tpu.memory_space<hbm>>
          %dma_start3A_259 = arith.constant 0 : i32
          %dma_start3A_260 = tpu.memref_slice %arg2[%mul3A_171, %dma_start3A_259] : memref<320000x128xf32, #tpu.memory_space<hbm>> -> memref<200x128xf32, #tpu.memory_space<hbm>>
          tpu.enqueue_dma source(%dma_start3A_260 : memref<200x128xf32, #tpu.memory_space<hbm>>) target(%arg6 : memref<200x128xf32, #tpu.memory_space<vmem>>) target_semaphore(%run_scoped3A : memref<!tpu.dma_semaphore, #tpu.memory_space<semaphore_mem>>)
          %dma_wait3A = arith.constant 0 : i32
          %dma_wait3A_261 = tpu.memref_slice %arg2[%mul3A_171, %dma_wait3A] : memref<320000x128xf32, #tpu.memory_space<hbm>> -> memref<200x128xf32, #tpu.memory_space<hbm>>
          %dma_wait3A_262 = arith.constant 0 : i32
          %dma_wait3A_263 = tpu.memref_slice %arg2[%mul3A_171, %dma_wait3A_262] : memref<320000x128xf32, #tpu.memory_space<hbm>> -> memref<200x128xf32, #tpu.memory_space<hbm>>
          tpu.wait_dma2 semaphore(%run_scoped3A : memref<!tpu.dma_semaphore, #tpu.memory_space<semaphore_mem>>) src(%dma_wait3A_263 : memref<200x128xf32, #tpu.memory_space<hbm>>) dst(%arg6 : memref<200x128xf32, #tpu.memory_space<vmem>>)
          tpu.yield
        }) : () -> ()
        "tpu.region"() ({
          %run_scoped3A = tpu.sem_alloc : memref<!tpu.dma_semaphore, #tpu.memory_space<semaphore_mem>>
          %dma_start3A = arith.constant 0 : i32
          %dma_start3A_258 = tpu.memref_slice %arg7[%dma_start3A] : memref<216xi32, #tpu.memory_space<vmem>> -> memref<200xi32, #tpu.memory_space<vmem>>
          %dma_start3A_259 = tpu.memref_slice %arg3[%mul3A_171] : memref<320000xi32, #tpu.memory_space<hbm>> -> memref<200xi32, #tpu.memory_space<hbm>>
          %dma_start3A_260 = arith.constant 0 : i32
          %dma_start3A_261 = tpu.memref_slice %arg7[%dma_start3A_260] : memref<216xi32, #tpu.memory_space<vmem>> -> memref<200xi32, #tpu.memory_space<vmem>>
          %dma_start3A_262 = tpu.memref_slice %arg3[%mul3A_171] : memref<320000xi32, #tpu.memory_space<hbm>> -> memref<200xi32, #tpu.memory_space<hbm>>
          tpu.enqueue_dma source(%dma_start3A_262 : memref<200xi32, #tpu.memory_space<hbm>>) target(%dma_start3A_261 : memref<200xi32, #tpu.memory_space<vmem>>) target_semaphore(%run_scoped3A : memref<!tpu.dma_semaphore, #tpu.memory_space<semaphore_mem>>)
          %dma_wait3A = arith.constant 0 : i32
          %dma_wait3A_263 = tpu.memref_slice %arg7[%dma_wait3A] : memref<216xi32, #tpu.memory_space<vmem>> -> memref<200xi32, #tpu.memory_space<vmem>>
          %dma_wait3A_264 = tpu.memref_slice %arg3[%mul3A_171] : memref<320000xi32, #tpu.memory_space<hbm>> -> memref<200xi32, #tpu.memory_space<hbm>>
          %dma_wait3A_265 = arith.constant 0 : i32
          %dma_wait3A_266 = tpu.memref_slice %arg7[%dma_wait3A_265] : memref<216xi32, #tpu.memory_space<vmem>> -> memref<200xi32, #tpu.memory_space<vmem>>
          %dma_wait3A_267 = tpu.memref_slice %arg3[%mul3A_171] : memref<320000xi32, #tpu.memory_space<hbm>> -> memref<200xi32, #tpu.memory_space<hbm>>
          tpu.wait_dma2 semaphore(%run_scoped3A : memref<!tpu.dma_semaphore, #tpu.memory_space<semaphore_mem>>) src(%dma_wait3A_267 : memref<200xi32, #tpu.memory_space<hbm>>) dst(%dma_wait3A_266 : memref<200xi32, #tpu.memory_space<vmem>>)
          tpu.yield
        }) : () -> ()
        "tpu.region"() ({
          %run_scoped3A = tpu.sem_alloc : memref<!tpu.dma_semaphore, #tpu.memory_space<semaphore_mem>>
          %dma_start3A = arith.constant 0 : i32
          %dma_start3A_258 = tpu.memref_slice %arg8[%dma_start3A] : memref<216xi32, #tpu.memory_space<vmem>> -> memref<200xi32, #tpu.memory_space<vmem>>
          %dma_start3A_259 = tpu.memref_slice %arg4[%mul3A_171] : memref<320000xi32, #tpu.memory_space<hbm>> -> memref<200xi32, #tpu.memory_space<hbm>>
          %dma_start3A_260 = arith.constant 0 : i32
          %dma_start3A_261 = tpu.memref_slice %arg8[%dma_start3A_260] : memref<216xi32, #tpu.memory_space<vmem>> -> memref<200xi32, #tpu.memory_space<vmem>>
          %dma_start3A_262 = tpu.memref_slice %arg4[%mul3A_171] : memref<320000xi32, #tpu.memory_space<hbm>> -> memref<200xi32, #tpu.memory_space<hbm>>
          tpu.enqueue_dma source(%dma_start3A_262 : memref<200xi32, #tpu.memory_space<hbm>>) target(%dma_start3A_261 : memref<200xi32, #tpu.memory_space<vmem>>) target_semaphore(%run_scoped3A : memref<!tpu.dma_semaphore, #tpu.memory_space<semaphore_mem>>)
          %dma_wait3A = arith.constant 0 : i32
          %dma_wait3A_263 = tpu.memref_slice %arg8[%dma_wait3A] : memref<216xi32, #tpu.memory_space<vmem>> -> memref<200xi32, #tpu.memory_space<vmem>>
          %dma_wait3A_264 = tpu.memref_slice %arg4[%mul3A_171] : memref<320000xi32, #tpu.memory_space<hbm>> -> memref<200xi32, #tpu.memory_space<hbm>>
          %dma_wait3A_265 = arith.constant 0 : i32
          %dma_wait3A_266 = tpu.memref_slice %arg8[%dma_wait3A_265] : memref<216xi32, #tpu.memory_space<vmem>> -> memref<200xi32, #tpu.memory_space<vmem>>
          %dma_wait3A_267 = tpu.memref_slice %arg4[%mul3A_171] : memref<320000xi32, #tpu.memory_space<hbm>> -> memref<200xi32, #tpu.memory_space<hbm>>
          tpu.wait_dma2 semaphore(%run_scoped3A : memref<!tpu.dma_semaphore, #tpu.memory_space<semaphore_mem>>) src(%dma_wait3A_267 : memref<200xi32, #tpu.memory_space<hbm>>) dst(%dma_wait3A_266 : memref<200xi32, #tpu.memory_space<vmem>>)
          tpu.yield
        }) : () -> ()
        %get3A_172 = arith.constant 1 : i32
        %get3A_173 = arith.index_cast %get3A_172 : i32 to index
        %get3A_174 = memref.load %arg13[%get3A_173] : memref<8xi32, #tpu.memory_space<smem>>
        %get3A_175 = arith.constant 2 : i32
        %get3A_176 = arith.index_cast %get3A_175 : i32 to index
        %get3A_177 = memref.load %arg13[%get3A_176] : memref<8xi32, #tpu.memory_space<smem>>
        %ne3A = arith.constant 0 : i32
        %ne3A_178 = arith.cmpi ne, %get3A_177, %ne3A : i32
        %get3A_179 = arith.constant 3 : i32
        %get3A_180 = arith.index_cast %get3A_179 : i32 to index
        %get3A_181 = memref.load %arg13[%get3A_180] : memref<8xi32, #tpu.memory_space<smem>>
        %get3A_182 = arith.constant 0 : index
        %get3A_183 = tpu.vector_load %arg12[%get3A_182] {strides = array<i32>} : memref<128xf32, #tpu.memory_space<vmem>>, vector<16xf32>,
        %get3A_184 = vector.shape_cast %get3A_183 : vector<16xf32> to vector<16xf32>
        %get3A_185 = arith.constant 16 : index
        %get3A_186 = tpu.vector_load %arg12[%get3A_185] {strides = array<i32>} : memref<128xf32, #tpu.memory_space<vmem>>, vector<16xf32>,
        %get3A_187 = vector.shape_cast %get3A_186 : vector<16xf32> to vector<16xf32>
        %get3A_188 = arith.constant 32 : index
        %get3A_189 = tpu.vector_load %arg12[%get3A_188] {strides = array<i32>} : memref<128xf32, #tpu.memory_space<vmem>>, vector<16xf32>,
        %get3A_190 = vector.shape_cast %get3A_189 : vector<16xf32> to vector<16xf32>
        %get3A_191 = arith.constant 48 : index
        %get3A_192 = tpu.vector_load %arg12[%get3A_191] {strides = array<i32>} : memref<128xf32, #tpu.memory_space<vmem>>, vector<16xf32>,
        %get3A_193 = vector.shape_cast %get3A_192 : vector<16xf32> to vector<16xf32>
        %get3A_194 = arith.constant 64 : index
        %get3A_195 = tpu.vector_load %arg12[%get3A_194] {strides = array<i32>} : memref<128xf32, #tpu.memory_space<vmem>>, vector<16xf32>,
        %get3A_196 = vector.shape_cast %get3A_195 : vector<16xf32> to vector<16xf32>
        %get3A_197 = arith.constant 80 : index
        %get3A_198 = tpu.vector_load %arg12[%get3A_197] {strides = array<i32>} : memref<128xf32, #tpu.memory_space<vmem>>, vector<16xf32>,
        %get3A_199 = vector.shape_cast %get3A_198 : vector<16xf32> to vector<16xf32>
        %get3A_200 = arith.constant 96 : index
        %get3A_201 = tpu.vector_load %arg12[%get3A_200] {strides = array<i32>} : memref<128xf32, #tpu.memory_space<vmem>>, vector<16xf32>,
        %get3A_202 = vector.shape_cast %get3A_201 : vector<16xf32> to vector<16xf32>
        %get3A_203 = arith.constant 112 : index
        %get3A_204 = tpu.vector_load %arg12[%get3A_203] {strides = array<i32>} : memref<128xf32, #tpu.memory_space<vmem>>, vector<16xf32>,
        %get3A_205 = vector.shape_cast %get3A_204 : vector<16xf32> to vector<16xf32>
        %scan3A = arith.constant false
        %scan3A_206 = arith.constant 0 : i32
        %scan3A_207 = arith.constant 200 : i32
        %scan3A_208 = arith.addi %scan3A_206, %scan3A_207 : i32
        %scan3A_209 = arith.constant 1 : i32
        %scan3A_210:12 = scf.for %scan3A_258 = %scan3A_206 to %scan3A_208 step %scan3A_209 iter_args(%scan3A_259 = %get3A_174, %scan3A_260 = %ne3A_178, %scan3A_261 = %scan3A, %scan3A_262 = %get3A_181, %scan3A_263 = %get3A_184, %scan3A_264 = %get3A_187, %scan3A_265 = %get3A_190, %scan3A_266 = %get3A_193, %scan3A_267 = %get3A_196, %scan3A_268 = %get3A_199, %scan3A_269 = %get3A_202, %scan3A_270 = %get3A_205) -> (i32, i1, i1, i32, vector<16xf32>, vector<16xf32>, vector<16xf32>, vector<16xf32>, vector<16xf32>, vector<16xf32>, vector<16xf32>, vector<16xf32>)  : i32 {
          %add3A_271 = arith.addi %mul3A_171, %scan3A_258 : i32
          %get3A_272 = arith.index_cast %scan3A_258 : i32 to index
          %get3A_273 = tpu.vector_load %arg7[%get3A_272] {strides = array<i32>} : memref<216xi32, #tpu.memory_space<vmem>>, vector<16xi32>,
          %get3A_274 = vector.shape_cast %get3A_273 : vector<16xi32> to vector<16xi32>
          %slice3A_275 = vector.extract_strided_slice %get3A_274 {offsets = [0], sizes = [1], strides = [1]} : vector<16xi32> to vector<1xi32>
          %squeeze3A_276 = vector.extract %slice3A_275[0] : i32 from vector<1xi32>
          %get3A_277 = arith.index_cast %scan3A_258 : i32 to index
          %get3A_278 = tpu.vector_load %arg8[%get3A_277] {strides = array<i32>} : memref<216xi32, #tpu.memory_space<vmem>>, vector<16xi32>,
          %get3A_279 = vector.shape_cast %get3A_278 : vector<16xi32> to vector<16xi32>
          %slice3A_280 = vector.extract_strided_slice %get3A_279 {offsets = [0], sizes = [1], strides = [1]} : vector<16xi32> to vector<1xi32>
          %squeeze3A_281 = vector.extract %slice3A_280[0] : i32 from vector<1xi32>
          %ne3A_282 = arith.cmpi ne, %squeeze3A_276, %scan3A_259 : i32
          %not3A = arith.constant true
          %not3A_283 = arith.xori %scan3A_260, %not3A : i1
          %ge3A_284 = arith.cmpi sge, %add3A_271, %add3A_4 : i32
          %not3A_285 = arith.constant true
          %not3A_286 = arith.xori %scan3A_261, %not3A_285 : i1
          %or3A = arith.ori %not3A_283, %ne3A_282 : i1
          %and3A = arith.andi %ge3A_284, %or3A : i1
          %and3A_287 = arith.andi %and3A, %not3A_286 : i1
          %not3A_288 = arith.constant true
          %not3A_289 = arith.xori %and3A_287, %not3A_288 : i1
          %and3A_290 = arith.andi %not3A_286, %not3A_289 : i1
          %eq3A_291 = arith.cmpi eq, %squeeze3A_276, %select_n3A : i32
          %and3A_292 = arith.andi %not3A_283, %eq3A_291 : i1
          %and3A_293 = arith.andi %and3A_292, %and3A_290 : i1
          %not3A_294 = arith.constant true
          %not3A_295 = arith.xori %and3A_293, %not3A_294 : i1
          %and3A_296 = arith.andi %and3A_290, %not3A_295 : i1
          %and3A_297 = arith.andi %and3A_296, %ne3A_282 : i1
          %convert_element_type3A_298 = arith.extui %and3A_297 : i1 to i32
          %cond3A_299 = arith.constant 0 : i32
          %cond3A_300 = arith.cmpi ne, %convert_element_type3A_298, %cond3A_299 : i32
          scf.if %cond3A_300 {
            %ge3A_378 = arith.constant 0 : i32
            %ge3A_379 = arith.cmpi sge, %scan3A_259, %ge3A_378 : i32
            %convert_element_type3A_380 = arith.extui %ge3A_379 : i1 to i32
            %cond3A_381 = arith.constant 0 : i32
            %cond3A_382 = arith.cmpi ne, %convert_element_type3A_380, %cond3A_381 : i32
            scf.if %cond3A_382 {
              %swap3A_401 = arith.constant 0 : index
              %swap3A_402 = tpu.vector_load %arg9[%swap3A_401] {strides = array<i32>} : memref<128xf32, #tpu.memory_space<vmem>>, vector<16xf32>,
              %swap3A_403 = vector.shape_cast %swap3A_402 : vector<16xf32> to vector<16xf32>
              %swap3A_404 = vector.shape_cast %scan3A_263 : vector<16xf32> to vector<16xf32>
              tpu.vector_store %arg9[%swap3A_401], %swap3A_404 {strides = array<i32>} : memref<128xf32, #tpu.memory_space<vmem>>, vector<16xf32>,
              %swap3A_405 = arith.constant 16 : index
              %swap3A_406 = tpu.vector_load %arg9[%swap3A_405] {strides = array<i32>} : memref<128xf32, #tpu.memory_space<vmem>>, vector<16xf32>,
              %swap3A_407 = vector.shape_cast %swap3A_406 : vector<16xf32> to vector<16xf32>
              %swap3A_408 = vector.shape_cast %scan3A_264 : vector<16xf32> to vector<16xf32>
              tpu.vector_store %arg9[%swap3A_405], %swap3A_408 {strides = array<i32>} : memref<128xf32, #tpu.memory_space<vmem>>, vector<16xf32>,
              %swap3A_409 = arith.constant 32 : index
              %swap3A_410 = tpu.vector_load %arg9[%swap3A_409] {strides = array<i32>} : memref<128xf32, #tpu.memory_space<vmem>>, vector<16xf32>,
              %swap3A_411 = vector.shape_cast %swap3A_410 : vector<16xf32> to vector<16xf32>
              %swap3A_412 = vector.shape_cast %scan3A_265 : vector<16xf32> to vector<16xf32>
              tpu.vector_store %arg9[%swap3A_409], %swap3A_412 {strides = array<i32>} : memref<128xf32, #tpu.memory_space<vmem>>, vector<16xf32>,
              %swap3A_413 = arith.constant 48 : index
              %swap3A_414 = tpu.vector_load %arg9[%swap3A_413] {strides = array<i32>} : memref<128xf32, #tpu.memory_space<vmem>>, vector<16xf32>,
              %swap3A_415 = vector.shape_cast %swap3A_414 : vector<16xf32> to vector<16xf32>
              %swap3A_416 = vector.shape_cast %scan3A_266 : vector<16xf32> to vector<16xf32>
              tpu.vector_store %arg9[%swap3A_413], %swap3A_416 {strides = array<i32>} : memref<128xf32, #tpu.memory_space<vmem>>, vector<16xf32>,
              %swap3A_417 = arith.constant 64 : index
              %swap3A_418 = tpu.vector_load %arg9[%swap3A_417] {strides = array<i32>} : memref<128xf32, #tpu.memory_space<vmem>>, vector<16xf32>,
              %swap3A_419 = vector.shape_cast %swap3A_418 : vector<16xf32> to vector<16xf32>
              %swap3A_420 = vector.shape_cast %scan3A_267 : vector<16xf32> to vector<16xf32>
              tpu.vector_store %arg9[%swap3A_417], %swap3A_420 {strides = array<i32>} : memref<128xf32, #tpu.memory_space<vmem>>, vector<16xf32>,
              %swap3A_421 = arith.constant 80 : index
              %swap3A_422 = tpu.vector_load %arg9[%swap3A_421] {strides = array<i32>} : memref<128xf32, #tpu.memory_space<vmem>>, vector<16xf32>,
              %swap3A_423 = vector.shape_cast %swap3A_422 : vector<16xf32> to vector<16xf32>
              %swap3A_424 = vector.shape_cast %scan3A_268 : vector<16xf32> to vector<16xf32>
              tpu.vector_store %arg9[%swap3A_421], %swap3A_424 {strides = array<i32>} : memref<128xf32, #tpu.memory_space<vmem>>, vector<16xf32>,
              %swap3A_425 = arith.constant 96 : index
              %swap3A_426 = tpu.vector_load %arg9[%swap3A_425] {strides = array<i32>} : memref<128xf32, #tpu.memory_space<vmem>>, vector<16xf32>,
              %swap3A_427 = vector.shape_cast %swap3A_426 : vector<16xf32> to vector<16xf32>
              %swap3A_428 = vector.shape_cast %scan3A_269 : vector<16xf32> to vector<16xf32>
              tpu.vector_store %arg9[%swap3A_425], %swap3A_428 {strides = array<i32>} : memref<128xf32, #tpu.memory_space<vmem>>, vector<16xf32>,
              %swap3A_429 = arith.constant 112 : index
              %swap3A_430 = tpu.vector_load %arg9[%swap3A_429] {strides = array<i32>} : memref<128xf32, #tpu.memory_space<vmem>>, vector<16xf32>,
              %swap3A_431 = vector.shape_cast %swap3A_430 : vector<16xf32> to vector<16xf32>
              %swap3A_432 = vector.shape_cast %scan3A_270 : vector<16xf32> to vector<16xf32>
              tpu.vector_store %arg9[%swap3A_429], %swap3A_432 {strides = array<i32>} : memref<128xf32, #tpu.memory_space<vmem>>, vector<16xf32>,
              "tpu.region"() ({
                %run_scoped3A = tpu.sem_alloc : memref<!tpu.dma_semaphore, #tpu.memory_space<semaphore_mem>>
                %dma_start3A = arith.constant 0 : i32
                %dma_start3A_433 = tpu.memref_slice %arg5[%scan3A_259, %dma_start3A] : memref<10000x128xf32, #tpu.memory_space<hbm>> -> memref<1x128xf32, #tpu.memory_space<hbm>>
                %dma_start3A_434 = tpu.memref_squeeze %dma_start3A_433 : memref<1x128xf32, #tpu.memory_space<hbm>> -> memref<128xf32, #tpu.memory_space<hbm>>
                %dma_start3A_435 = arith.constant 0 : i32
                %dma_start3A_436 = tpu.memref_slice %arg5[%scan3A_259, %dma_start3A_435] : memref<10000x128xf32, #tpu.memory_space<hbm>> -> memref<1x128xf32, #tpu.memory_space<hbm>>
                %dma_start3A_437 = tpu.memref_squeeze %dma_start3A_436 : memref<1x128xf32, #tpu.memory_space<hbm>> -> memref<128xf32, #tpu.memory_space<hbm>>
                tpu.enqueue_dma source(%arg9 : memref<128xf32, #tpu.memory_space<vmem>>) target(%dma_start3A_437 : memref<128xf32, #tpu.memory_space<hbm>>) target_semaphore(%run_scoped3A : memref<!tpu.dma_semaphore, #tpu.memory_space<semaphore_mem>>)
                %dma_wait3A = arith.constant 0 : i32
                %dma_wait3A_438 = tpu.memref_slice %arg5[%scan3A_259, %dma_wait3A] : memref<10000x128xf32, #tpu.memory_space<hbm>> -> memref<1x128xf32, #tpu.memory_space<hbm>>
                %dma_wait3A_439 = tpu.memref_squeeze %dma_wait3A_438 : memref<1x128xf32, #tpu.memory_space<hbm>> -> memref<128xf32, #tpu.memory_space<hbm>>
                %dma_wait3A_440 = arith.constant 0 : i32
                %dma_wait3A_441 = tpu.memref_slice %arg5[%scan3A_259, %dma_wait3A_440] : memref<10000x128xf32, #tpu.memory_space<hbm>> -> memref<1x128xf32, #tpu.memory_space<hbm>>
                %dma_wait3A_442 = tpu.memref_squeeze %dma_wait3A_441 : memref<1x128xf32, #tpu.memory_space<hbm>> -> memref<128xf32, #tpu.memory_space<hbm>>
                tpu.wait_dma2 semaphore(%run_scoped3A : memref<!tpu.dma_semaphore, #tpu.memory_space<semaphore_mem>>) src(%arg9 : memref<128xf32, #tpu.memory_space<vmem>>) dst(%dma_wait3A_442 : memref<128xf32, #tpu.memory_space<hbm>>)
                tpu.yield
              }) : () -> ()
            } else {
            }
            %ge3A_383 = arith.constant 0 : i32
            %ge3A_384 = arith.cmpi sge, %scan3A_259, %ge3A_383 : i32
            %add3A_385 = arith.constant 1 : i32
            %add3A_386 = arith.addi %scan3A_259, %add3A_385 : i32
            %eq3A_387 = arith.constant 0 : i32
            %eq3A_388 = arith.cmpi eq, %add3A, %eq3A_387 : i32
            %jit3A_389 = arith.constant 0 : i32
            %select_n3A_390 = arith.select %eq3A_388, %jit3A_389, %squeeze3A_276 : i32
            %select_n3A_391 = arith.select %ge3A_384, %add3A_386, %select_n3A_390 : i32
            %while3A_392 = arith.constant 0 : i32
            %while3A_393 = arith.subi %squeeze3A_276, %select_n3A_391 : i32
            %while3A_394 = arith.addi %select_n3A_391, %while3A_393 : i32
            %while3A_395 = arith.constant 1 : i32
            %while3A_396 = arith.divsi %while3A_393, %while3A_395 : i32
            %while3A_397 = arith.muli %while3A_396, %while3A_395 : i32
            %while3A_398 = arith.addi %select_n3A_391, %while3A_397 : i32
            %while3A_399 = arith.constant 1 : i32
            scf.for %while3A_401 = %select_n3A_391 to %while3A_398 step %while3A_399  : i32 {
              "tpu.region"() ({
                %run_scoped3A = tpu.sem_alloc : memref<!tpu.dma_semaphore, #tpu.memory_space<semaphore_mem>>
                %dma_start3A = arith.constant 0 : i32
                %dma_start3A_402 = tpu.memref_slice %arg5[%while3A_401, %dma_start3A] : memref<10000x128xf32, #tpu.memory_space<hbm>> -> memref<1x128xf32, #tpu.memory_space<hbm>>
                %dma_start3A_403 = tpu.memref_squeeze %dma_start3A_402 : memref<1x128xf32, #tpu.memory_space<hbm>> -> memref<128xf32, #tpu.memory_space<hbm>>
                %dma_start3A_404 = arith.constant 0 : i32
                %dma_start3A_405 = tpu.memref_slice %arg5[%while3A_401, %dma_start3A_404] : memref<10000x128xf32, #tpu.memory_space<hbm>> -> memref<1x128xf32, #tpu.memory_space<hbm>>
                %dma_start3A_406 = tpu.memref_squeeze %dma_start3A_405 : memref<1x128xf32, #tpu.memory_space<hbm>> -> memref<128xf32, #tpu.memory_space<hbm>>
                tpu.enqueue_dma source(%arg10 : memref<128xf32, #tpu.memory_space<vmem>>) target(%dma_start3A_406 : memref<128xf32, #tpu.memory_space<hbm>>) target_semaphore(%run_scoped3A : memref<!tpu.dma_semaphore, #tpu.memory_space<semaphore_mem>>)
                %dma_wait3A = arith.constant 0 : i32
                %dma_wait3A_407 = tpu.memref_slice %arg5[%while3A_401, %dma_wait3A] : memref<10000x128xf32, #tpu.memory_space<hbm>> -> memref<1x128xf32, #tpu.memory_space<hbm>>
                %dma_wait3A_408 = tpu.memref_squeeze %dma_wait3A_407 : memref<1x128xf32, #tpu.memory_space<hbm>> -> memref<128xf32, #tpu.memory_space<hbm>>
                %dma_wait3A_409 = arith.constant 0 : i32
                %dma_wait3A_410 = tpu.memref_slice %arg5[%while3A_401, %dma_wait3A_409] : memref<10000x128xf32, #tpu.memory_space<hbm>> -> memref<1x128xf32, #tpu.memory_space<hbm>>
                %dma_wait3A_411 = tpu.memref_squeeze %dma_wait3A_410 : memref<1x128xf32, #tpu.memory_space<hbm>> -> memref<128xf32, #tpu.memory_space<hbm>>
                tpu.wait_dma2 semaphore(%run_scoped3A : memref<!tpu.dma_semaphore, #tpu.memory_space<semaphore_mem>>) src(%arg10 : memref<128xf32, #tpu.memory_space<vmem>>) dst(%dma_wait3A_411 : memref<128xf32, #tpu.memory_space<hbm>>)
                tpu.yield
              }) : () -> ()
            }
            %while3A_400 = arith.constant 1 : i32
            scf.for %while3A_401 = %while3A_398 to %while3A_394 step %while3A_400  : i32 {
              "tpu.region"() ({
                %run_scoped3A = tpu.sem_alloc : memref<!tpu.dma_semaphore, #tpu.memory_space<semaphore_mem>>
                %dma_start3A = arith.constant 0 : i32
                %dma_start3A_402 = tpu.memref_slice %arg5[%while3A_401, %dma_start3A] : memref<10000x128xf32, #tpu.memory_space<hbm>> -> memref<1x128xf32, #tpu.memory_space<hbm>>
                %dma_start3A_403 = tpu.memref_squeeze %dma_start3A_402 : memref<1x128xf32, #tpu.memory_space<hbm>> -> memref<128xf32, #tpu.memory_space<hbm>>
                %dma_start3A_404 = arith.constant 0 : i32
                %dma_start3A_405 = tpu.memref_slice %arg5[%while3A_401, %dma_start3A_404] : memref<10000x128xf32, #tpu.memory_space<hbm>> -> memref<1x128xf32, #tpu.memory_space<hbm>>
                %dma_start3A_406 = tpu.memref_squeeze %dma_start3A_405 : memref<1x128xf32, #tpu.memory_space<hbm>> -> memref<128xf32, #tpu.memory_space<hbm>>
                tpu.enqueue_dma source(%arg10 : memref<128xf32, #tpu.memory_space<vmem>>) target(%dma_start3A_406 : memref<128xf32, #tpu.memory_space<hbm>>) target_semaphore(%run_scoped3A : memref<!tpu.dma_semaphore, #tpu.memory_space<semaphore_mem>>)
                %dma_wait3A = arith.constant 0 : i32
                %dma_wait3A_407 = tpu.memref_slice %arg5[%while3A_401, %dma_wait3A] : memref<10000x128xf32, #tpu.memory_space<hbm>> -> memref<1x128xf32, #tpu.memory_space<hbm>>
                %dma_wait3A_408 = tpu.memref_squeeze %dma_wait3A_407 : memref<1x128xf32, #tpu.memory_space<hbm>> -> memref<128xf32, #tpu.memory_space<hbm>>
                %dma_wait3A_409 = arith.constant 0 : i32
                %dma_wait3A_410 = tpu.memref_slice %arg5[%while3A_401, %dma_wait3A_409] : memref<10000x128xf32, #tpu.memory_space<hbm>> -> memref<1x128xf32, #tpu.memory_space<hbm>>
                %dma_wait3A_411 = tpu.memref_squeeze %dma_wait3A_410 : memref<1x128xf32, #tpu.memory_space<hbm>> -> memref<128xf32, #tpu.memory_space<hbm>>
                tpu.wait_dma2 semaphore(%run_scoped3A : memref<!tpu.dma_semaphore, #tpu.memory_space<semaphore_mem>>) src(%arg10 : memref<128xf32, #tpu.memory_space<vmem>>) dst(%dma_wait3A_411 : memref<128xf32, #tpu.memory_space<hbm>>)
                tpu.yield
              }) : () -> ()
            }
          } else {
          }
          %sub3A = arith.constant 1 : i32
          %sub3A_301 = arith.subi %sub3A, %squeeze3A_281 : i32
          %convert_element_type3A_302 = arith.sitofp %sub3A_301 : i32 to f32
          %select_n3A_303 = arith.select %and3A_297, %broadcast_in_dim3A_9, %scan3A_263 : vector<16xf32>
          %get3A_304 = arith.index_cast %scan3A_258 : i32 to index
          %get3A_305 = arith.constant 0 : index
          %get3A_306 = tpu.vector_load %arg6[%get3A_304, %get3A_305] {strides = array<i32>} : memref<200x128xf32, #tpu.memory_space<vmem>>, vector<1x16xf32>,
          %get3A_307 = vector.shape_cast %get3A_306 : vector<1x16xf32> to vector<16xf32>
          %mul3A_308 = vector.broadcast %convert_element_type3A_302 : f32 to vector<16xf32>
          %mul3A_309 = arith.mulf %get3A_307, %mul3A_308 : vector<16xf32>
          %max3A = arith.maximumf %select_n3A_303, %mul3A_309 : vector<16xf32>
          %select_n3A_310 = arith.select %and3A_296, %max3A, %select_n3A_303 : vector<16xf32>
          %select_n3A_311 = arith.select %and3A_297, %broadcast_in_dim3A_9, %scan3A_264 : vector<16xf32>
          %get3A_312 = arith.index_cast %scan3A_258 : i32 to index
          %get3A_313 = arith.constant 16 : index
          %get3A_314 = tpu.vector_load %arg6[%get3A_312, %get3A_313] {strides = array<i32>} : memref<200x128xf32, #tpu.memory_space<vmem>>, vector<1x16xf32>,
          %get3A_315 = vector.shape_cast %get3A_314 : vector<1x16xf32> to vector<16xf32>
          %mul3A_316 = vector.broadcast %convert_element_type3A_302 : f32 to vector<16xf32>
          %mul3A_317 = arith.mulf %get3A_315, %mul3A_316 : vector<16xf32>
          %max3A_318 = arith.maximumf %select_n3A_311, %mul3A_317 : vector<16xf32>
          %select_n3A_319 = arith.select %and3A_296, %max3A_318, %select_n3A_311 : vector<16xf32>
          %select_n3A_320 = arith.select %and3A_297, %broadcast_in_dim3A_9, %scan3A_265 : vector<16xf32>
          %get3A_321 = arith.index_cast %scan3A_258 : i32 to index
          %get3A_322 = arith.constant 32 : index
          %get3A_323 = tpu.vector_load %arg6[%get3A_321, %get3A_322] {strides = array<i32>} : memref<200x128xf32, #tpu.memory_space<vmem>>, vector<1x16xf32>,
          %get3A_324 = vector.shape_cast %get3A_323 : vector<1x16xf32> to vector<16xf32>
          %mul3A_325 = vector.broadcast %convert_element_type3A_302 : f32 to vector<16xf32>
          %mul3A_326 = arith.mulf %get3A_324, %mul3A_325 : vector<16xf32>
          %max3A_327 = arith.maximumf %select_n3A_320, %mul3A_326 : vector<16xf32>
          %select_n3A_328 = arith.select %and3A_296, %max3A_327, %select_n3A_320 : vector<16xf32>
          %select_n3A_329 = arith.select %and3A_297, %broadcast_in_dim3A_9, %scan3A_266 : vector<16xf32>
          %get3A_330 = arith.index_cast %scan3A_258 : i32 to index
          %get3A_331 = arith.constant 48 : index
          %get3A_332 = tpu.vector_load %arg6[%get3A_330, %get3A_331] {strides = array<i32>} : memref<200x128xf32, #tpu.memory_space<vmem>>, vector<1x16xf32>,
          %get3A_333 = vector.shape_cast %get3A_332 : vector<1x16xf32> to vector<16xf32>
          %mul3A_334 = vector.broadcast %convert_element_type3A_302 : f32 to vector<16xf32>
          %mul3A_335 = arith.mulf %get3A_333, %mul3A_334 : vector<16xf32>
          %max3A_336 = arith.maximumf %select_n3A_329, %mul3A_335 : vector<16xf32>
          %select_n3A_337 = arith.select %and3A_296, %max3A_336, %select_n3A_329 : vector<16xf32>
          %select_n3A_338 = arith.select %and3A_297, %broadcast_in_dim3A_9, %scan3A_267 : vector<16xf32>
          %get3A_339 = arith.index_cast %scan3A_258 : i32 to index
          %get3A_340 = arith.constant 64 : index
          %get3A_341 = tpu.vector_load %arg6[%get3A_339, %get3A_340] {strides = array<i32>} : memref<200x128xf32, #tpu.memory_space<vmem>>, vector<1x16xf32>,
          %get3A_342 = vector.shape_cast %get3A_341 : vector<1x16xf32> to vector<16xf32>
          %mul3A_343 = vector.broadcast %convert_element_type3A_302 : f32 to vector<16xf32>
          %mul3A_344 = arith.mulf %get3A_342, %mul3A_343 : vector<16xf32>
          %max3A_345 = arith.maximumf %select_n3A_338, %mul3A_344 : vector<16xf32>
          %select_n3A_346 = arith.select %and3A_296, %max3A_345, %select_n3A_338 : vector<16xf32>
          %select_n3A_347 = arith.select %and3A_297, %broadcast_in_dim3A_9, %scan3A_268 : vector<16xf32>
          %get3A_348 = arith.index_cast %scan3A_258 : i32 to index
          %get3A_349 = arith.constant 80 : index
          %get3A_350 = tpu.vector_load %arg6[%get3A_348, %get3A_349] {strides = array<i32>} : memref<200x128xf32, #tpu.memory_space<vmem>>, vector<1x16xf32>,
          %get3A_351 = vector.shape_cast %get3A_350 : vector<1x16xf32> to vector<16xf32>
          %mul3A_352 = vector.broadcast %convert_element_type3A_302 : f32 to vector<16xf32>
          %mul3A_353 = arith.mulf %get3A_351, %mul3A_352 : vector<16xf32>
          %max3A_354 = arith.maximumf %select_n3A_347, %mul3A_353 : vector<16xf32>
          %select_n3A_355 = arith.select %and3A_296, %max3A_354, %select_n3A_347 : vector<16xf32>
          %select_n3A_356 = arith.select %and3A_297, %broadcast_in_dim3A_9, %scan3A_269 : vector<16xf32>
          %get3A_357 = arith.index_cast %scan3A_258 : i32 to index
          %get3A_358 = arith.constant 96 : index
          %get3A_359 = tpu.vector_load %arg6[%get3A_357, %get3A_358] {strides = array<i32>} : memref<200x128xf32, #tpu.memory_space<vmem>>, vector<1x16xf32>,
          %get3A_360 = vector.shape_cast %get3A_359 : vector<1x16xf32> to vector<16xf32>
          %mul3A_361 = vector.broadcast %convert_element_type3A_302 : f32 to vector<16xf32>
          %mul3A_362 = arith.mulf %get3A_360, %mul3A_361 : vector<16xf32>
          %max3A_363 = arith.maximumf %select_n3A_356, %mul3A_362 : vector<16xf32>
          %select_n3A_364 = arith.select %and3A_296, %max3A_363, %select_n3A_356 : vector<16xf32>
          %select_n3A_365 = arith.select %and3A_297, %broadcast_in_dim3A_9, %scan3A_270 : vector<16xf32>
          %get3A_366 = arith.index_cast %scan3A_258 : i32 to index
          %get3A_367 = arith.constant 112 : index
          %get3A_368 = tpu.vector_load %arg6[%get3A_366, %get3A_367] {strides = array<i32>} : memref<200x128xf32, #tpu.memory_space<vmem>>, vector<1x16xf32>,
          %get3A_369 = vector.shape_cast %get3A_368 : vector<1x16xf32> to vector<16xf32>
          %mul3A_370 = vector.broadcast %convert_element_type3A_302 : f32 to vector<16xf32>
          %mul3A_371 = arith.mulf %get3A_369, %mul3A_370 : vector<16xf32>
          %max3A_372 = arith.maximumf %select_n3A_365, %mul3A_371 : vector<16xf32>
          %select_n3A_373 = arith.select %and3A_296, %max3A_372, %select_n3A_365 : vector<16xf32>
          %select_n3A_374 = arith.select %and3A_297, %squeeze3A_276, %scan3A_259 : i32
          %or3A_375 = arith.ori %scan3A_260, %and3A_297 : i1
          %or3A_376 = arith.ori %scan3A_261, %and3A_287 : i1
          %select_n3A_377 = arith.select %and3A_287, %squeeze3A_276, %scan3A_262 : i32
          scf.yield %select_n3A_374, %or3A_375, %or3A_376, %select_n3A_377, %select_n3A_310, %select_n3A_319, %select_n3A_328, %select_n3A_337, %select_n3A_346, %select_n3A_355, %select_n3A_364, %select_n3A_373 : i32, i1, i1, i32, vector<16xf32>, vector<16xf32>, vector<16xf32>, vector<16xf32>, vector<16xf32>, vector<16xf32>, vector<16xf32>, vector<16xf32>
        }
        %scan3A_211 = arith.constant 200 : i32
        %swap3A_212 = arith.constant 1 : i32
        %swap3A_213 = arith.index_cast %swap3A_212 : i32 to index
        %swap3A_214 = memref.load %arg13[%swap3A_213] : memref<8xi32, #tpu.memory_space<smem>>
        memref.store %scan3A_210#0, %arg13[%swap3A_213] : memref<8xi32, #tpu.memory_space<smem>>
        %convert_element_type3A_215 = arith.extui %scan3A_210#1 : i1 to i32
        %swap3A_216 = arith.constant 2 : i32
        %swap3A_217 = arith.index_cast %swap3A_216 : i32 to index
        %swap3A_218 = memref.load %arg13[%swap3A_217] : memref<8xi32, #tpu.memory_space<smem>>
        memref.store %convert_element_type3A_215, %arg13[%swap3A_217] : memref<8xi32, #tpu.memory_space<smem>>
        %swap3A_219 = arith.constant 3 : i32
        %swap3A_220 = arith.index_cast %swap3A_219 : i32 to index
        %swap3A_221 = memref.load %arg13[%swap3A_220] : memref<8xi32, #tpu.memory_space<smem>>
        memref.store %scan3A_210#3, %arg13[%swap3A_220] : memref<8xi32, #tpu.memory_space<smem>>
        %convert_element_type3A_222 = arith.extui %scan3A_210#2 : i1 to i32
        %swap3A_223 = arith.constant 0 : i32
        %swap3A_224 = arith.index_cast %swap3A_223 : i32 to index
        %swap3A_225 = memref.load %arg13[%swap3A_224] : memref<8xi32, #tpu.memory_space<smem>>
        memref.store %convert_element_type3A_222, %arg13[%swap3A_224] : memref<8xi32, #tpu.memory_space<smem>>
        %swap3A_226 = arith.constant 0 : index
        %swap3A_227 = tpu.vector_load %arg12[%swap3A_226] {strides = array<i32>} : memref<128xf32, #tpu.memory_space<vmem>>, vector<16xf32>,
        %swap3A_228 = vector.shape_cast %swap3A_227 : vector<16xf32> to vector<16xf32>
        %swap3A_229 = vector.shape_cast %scan3A_210#4 : vector<16xf32> to vector<16xf32>
        tpu.vector_store %arg12[%swap3A_226], %swap3A_229 {strides = array<i32>} : memref<128xf32, #tpu.memory_space<vmem>>, vector<16xf32>,
        %swap3A_230 = arith.constant 16 : index
        %swap3A_231 = tpu.vector_load %arg12[%swap3A_230] {strides = array<i32>} : memref<128xf32, #tpu.memory_space<vmem>>, vector<16xf32>,
        %swap3A_232 = vector.shape_cast %swap3A_231 : vector<16xf32> to vector<16xf32>
        %swap3A_233 = vector.shape_cast %scan3A_210#5 : vector<16xf32> to vector<16xf32>
        tpu.vector_store %arg12[%swap3A_230], %swap3A_233 {strides = array<i32>} : memref<128xf32, #tpu.memory_space<vmem>>, vector<16xf32>,
        %swap3A_234 = arith.constant 32 : index
        %swap3A_235 = tpu.vector_load %arg12[%swap3A_234] {strides = array<i32>} : memref<128xf32, #tpu.memory_space<vmem>>, vector<16xf32>,
        %swap3A_236 = vector.shape_cast %swap3A_235 : vector<16xf32> to vector<16xf32>
        %swap3A_237 = vector.shape_cast %scan3A_210#6 : vector<16xf32> to vector<16xf32>
        tpu.vector_store %arg12[%swap3A_234], %swap3A_237 {strides = array<i32>} : memref<128xf32, #tpu.memory_space<vmem>>, vector<16xf32>,
        %swap3A_238 = arith.constant 48 : index
        %swap3A_239 = tpu.vector_load %arg12[%swap3A_238] {strides = array<i32>} : memref<128xf32, #tpu.memory_space<vmem>>, vector<16xf32>,
        %swap3A_240 = vector.shape_cast %swap3A_239 : vector<16xf32> to vector<16xf32>
        %swap3A_241 = vector.shape_cast %scan3A_210#7 : vector<16xf32> to vector<16xf32>
        tpu.vector_store %arg12[%swap3A_238], %swap3A_241 {strides = array<i32>} : memref<128xf32, #tpu.memory_space<vmem>>, vector<16xf32>,
        %swap3A_242 = arith.constant 64 : index
        %swap3A_243 = tpu.vector_load %arg12[%swap3A_242] {strides = array<i32>} : memref<128xf32, #tpu.memory_space<vmem>>, vector<16xf32>,
        %swap3A_244 = vector.shape_cast %swap3A_243 : vector<16xf32> to vector<16xf32>
        %swap3A_245 = vector.shape_cast %scan3A_210#8 : vector<16xf32> to vector<16xf32>
        tpu.vector_store %arg12[%swap3A_242], %swap3A_245 {strides = array<i32>} : memref<128xf32, #tpu.memory_space<vmem>>, vector<16xf32>,
        %swap3A_246 = arith.constant 80 : index
        %swap3A_247 = tpu.vector_load %arg12[%swap3A_246] {strides = array<i32>} : memref<128xf32, #tpu.memory_space<vmem>>, vector<16xf32>,
        %swap3A_248 = vector.shape_cast %swap3A_247 : vector<16xf32> to vector<16xf32>
        %swap3A_249 = vector.shape_cast %scan3A_210#9 : vector<16xf32> to vector<16xf32>
        tpu.vector_store %arg12[%swap3A_246], %swap3A_249 {strides = array<i32>} : memref<128xf32, #tpu.memory_space<vmem>>, vector<16xf32>,
        %swap3A_250 = arith.constant 96 : index
        %swap3A_251 = tpu.vector_load %arg12[%swap3A_250] {strides = array<i32>} : memref<128xf32, #tpu.memory_space<vmem>>, vector<16xf32>,
        %swap3A_252 = vector.shape_cast %swap3A_251 : vector<16xf32> to vector<16xf32>
        %swap3A_253 = vector.shape_cast %scan3A_210#10 : vector<16xf32> to vector<16xf32>
        tpu.vector_store %arg12[%swap3A_250], %swap3A_253 {strides = array<i32>} : memref<128xf32, #tpu.memory_space<vmem>>, vector<16xf32>,
        %swap3A_254 = arith.constant 112 : index
        %swap3A_255 = tpu.vector_load %arg12[%swap3A_254] {strides = array<i32>} : memref<128xf32, #tpu.memory_space<vmem>>, vector<16xf32>,
        %swap3A_256 = vector.shape_cast %swap3A_255 : vector<16xf32> to vector<16xf32>
        %swap3A_257 = vector.shape_cast %scan3A_210#11 : vector<16xf32> to vector<16xf32>
        tpu.vector_store %arg12[%swap3A_254], %swap3A_257 {strides = array<i32>} : memref<128xf32, #tpu.memory_space<vmem>>, vector<16xf32>,
      } else {
      }
    }
    %while3A_109 = arith.constant 1 : i32
    scf.for %while3A_161 = %while3A_107 to %while3A_103 step %while3A_109  : i32 {
      %get3A_162 = arith.constant 0 : i32
      %get3A_163 = arith.index_cast %get3A_162 : i32 to index
      %get3A_164 = memref.load %arg13[%get3A_163] : memref<8xi32, #tpu.memory_space<smem>>
      %eq3A_165 = arith.constant 0 : i32
      %eq3A_166 = arith.cmpi eq, %get3A_164, %eq3A_165 : i32
      %convert_element_type3A_167 = arith.extui %eq3A_166 : i1 to i32
      %cond3A_168 = arith.constant 0 : i32
      %cond3A_169 = arith.cmpi ne, %convert_element_type3A_167, %cond3A_168 : i32
      scf.if %cond3A_169 {
        %mul3A_170 = arith.constant 200 : i32
        %mul3A_171 = arith.muli %while3A_161, %mul3A_170 : i32
        "tpu.region"() ({
          %run_scoped3A = tpu.sem_alloc : memref<!tpu.dma_semaphore, #tpu.memory_space<semaphore_mem>>
          %dma_start3A = arith.constant 0 : i32
          %dma_start3A_258 = tpu.memref_slice %arg2[%mul3A_171, %dma_start3A] : memref<320000x128xf32, #tpu.memory_space<hbm>> -> memref<200x128xf32, #tpu.memory_space<hbm>>
          %dma_start3A_259 = arith.constant 0 : i32
          %dma_start3A_260 = tpu.memref_slice %arg2[%mul3A_171, %dma_start3A_259] : memref<320000x128xf32, #tpu.memory_space<hbm>> -> memref<200x128xf32, #tpu.memory_space<hbm>>
          tpu.enqueue_dma source(%dma_start3A_260 : memref<200x128xf32, #tpu.memory_space<hbm>>) target(%arg6 : memref<200x128xf32, #tpu.memory_space<vmem>>) target_semaphore(%run_scoped3A : memref<!tpu.dma_semaphore, #tpu.memory_space<semaphore_mem>>)
          %dma_wait3A = arith.constant 0 : i32
          %dma_wait3A_261 = tpu.memref_slice %arg2[%mul3A_171, %dma_wait3A] : memref<320000x128xf32, #tpu.memory_space<hbm>> -> memref<200x128xf32, #tpu.memory_space<hbm>>
          %dma_wait3A_262 = arith.constant 0 : i32
          %dma_wait3A_263 = tpu.memref_slice %arg2[%mul3A_171, %dma_wait3A_262] : memref<320000x128xf32, #tpu.memory_space<hbm>> -> memref<200x128xf32, #tpu.memory_space<hbm>>
          tpu.wait_dma2 semaphore(%run_scoped3A : memref<!tpu.dma_semaphore, #tpu.memory_space<semaphore_mem>>) src(%dma_wait3A_263 : memref<200x128xf32, #tpu.memory_space<hbm>>) dst(%arg6 : memref<200x128xf32, #tpu.memory_space<vmem>>)
          tpu.yield
        }) : () -> ()
        "tpu.region"() ({
          %run_scoped3A = tpu.sem_alloc : memref<!tpu.dma_semaphore, #tpu.memory_space<semaphore_mem>>
          %dma_start3A = arith.constant 0 : i32
          %dma_start3A_258 = tpu.memref_slice %arg7[%dma_start3A] : memref<216xi32, #tpu.memory_space<vmem>> -> memref<200xi32, #tpu.memory_space<vmem>>
          %dma_start3A_259 = tpu.memref_slice %arg3[%mul3A_171] : memref<320000xi32, #tpu.memory_space<hbm>> -> memref<200xi32, #tpu.memory_space<hbm>>
          %dma_start3A_260 = arith.constant 0 : i32
          %dma_start3A_261 = tpu.memref_slice %arg7[%dma_start3A_260] : memref<216xi32, #tpu.memory_space<vmem>> -> memref<200xi32, #tpu.memory_space<vmem>>
          %dma_start3A_262 = tpu.memref_slice %arg3[%mul3A_171] : memref<320000xi32, #tpu.memory_space<hbm>> -> memref<200xi32, #tpu.memory_space<hbm>>
          tpu.enqueue_dma source(%dma_start3A_262 : memref<200xi32, #tpu.memory_space<hbm>>) target(%dma_start3A_261 : memref<200xi32, #tpu.memory_space<vmem>>) target_semaphore(%run_scoped3A : memref<!tpu.dma_semaphore, #tpu.memory_space<semaphore_mem>>)
          %dma_wait3A = arith.constant 0 : i32
          %dma_wait3A_263 = tpu.memref_slice %arg7[%dma_wait3A] : memref<216xi32, #tpu.memory_space<vmem>> -> memref<200xi32, #tpu.memory_space<vmem>>
          %dma_wait3A_264 = tpu.memref_slice %arg3[%mul3A_171] : memref<320000xi32, #tpu.memory_space<hbm>> -> memref<200xi32, #tpu.memory_space<hbm>>
          %dma_wait3A_265 = arith.constant 0 : i32
          %dma_wait3A_266 = tpu.memref_slice %arg7[%dma_wait3A_265] : memref<216xi32, #tpu.memory_space<vmem>> -> memref<200xi32, #tpu.memory_space<vmem>>
          %dma_wait3A_267 = tpu.memref_slice %arg3[%mul3A_171] : memref<320000xi32, #tpu.memory_space<hbm>> -> memref<200xi32, #tpu.memory_space<hbm>>
          tpu.wait_dma2 semaphore(%run_scoped3A : memref<!tpu.dma_semaphore, #tpu.memory_space<semaphore_mem>>) src(%dma_wait3A_267 : memref<200xi32, #tpu.memory_space<hbm>>) dst(%dma_wait3A_266 : memref<200xi32, #tpu.memory_space<vmem>>)
          tpu.yield
        }) : () -> ()
        "tpu.region"() ({
          %run_scoped3A = tpu.sem_alloc : memref<!tpu.dma_semaphore, #tpu.memory_space<semaphore_mem>>
          %dma_start3A = arith.constant 0 : i32
          %dma_start3A_258 = tpu.memref_slice %arg8[%dma_start3A] : memref<216xi32, #tpu.memory_space<vmem>> -> memref<200xi32, #tpu.memory_space<vmem>>
          %dma_start3A_259 = tpu.memref_slice %arg4[%mul3A_171] : memref<320000xi32, #tpu.memory_space<hbm>> -> memref<200xi32, #tpu.memory_space<hbm>>
          %dma_start3A_260 = arith.constant 0 : i32
          %dma_start3A_261 = tpu.memref_slice %arg8[%dma_start3A_260] : memref<216xi32, #tpu.memory_space<vmem>> -> memref<200xi32, #tpu.memory_space<vmem>>
          %dma_start3A_262 = tpu.memref_slice %arg4[%mul3A_171] : memref<320000xi32, #tpu.memory_space<hbm>> -> memref<200xi32, #tpu.memory_space<hbm>>
          tpu.enqueue_dma source(%dma_start3A_262 : memref<200xi32, #tpu.memory_space<hbm>>) target(%dma_start3A_261 : memref<200xi32, #tpu.memory_space<vmem>>) target_semaphore(%run_scoped3A : memref<!tpu.dma_semaphore, #tpu.memory_space<semaphore_mem>>)
          %dma_wait3A = arith.constant 0 : i32
          %dma_wait3A_263 = tpu.memref_slice %arg8[%dma_wait3A] : memref<216xi32, #tpu.memory_space<vmem>> -> memref<200xi32, #tpu.memory_space<vmem>>
          %dma_wait3A_264 = tpu.memref_slice %arg4[%mul3A_171] : memref<320000xi32, #tpu.memory_space<hbm>> -> memref<200xi32, #tpu.memory_space<hbm>>
          %dma_wait3A_265 = arith.constant 0 : i32
          %dma_wait3A_266 = tpu.memref_slice %arg8[%dma_wait3A_265] : memref<216xi32, #tpu.memory_space<vmem>> -> memref<200xi32, #tpu.memory_space<vmem>>
          %dma_wait3A_267 = tpu.memref_slice %arg4[%mul3A_171] : memref<320000xi32, #tpu.memory_space<hbm>> -> memref<200xi32, #tpu.memory_space<hbm>>
          tpu.wait_dma2 semaphore(%run_scoped3A : memref<!tpu.dma_semaphore, #tpu.memory_space<semaphore_mem>>) src(%dma_wait3A_267 : memref<200xi32, #tpu.memory_space<hbm>>) dst(%dma_wait3A_266 : memref<200xi32, #tpu.memory_space<vmem>>)
          tpu.yield
        }) : () -> ()
        %get3A_172 = arith.constant 1 : i32
        %get3A_173 = arith.index_cast %get3A_172 : i32 to index
        %get3A_174 = memref.load %arg13[%get3A_173] : memref<8xi32, #tpu.memory_space<smem>>
        %get3A_175 = arith.constant 2 : i32
        %get3A_176 = arith.index_cast %get3A_175 : i32 to index
        %get3A_177 = memref.load %arg13[%get3A_176] : memref<8xi32, #tpu.memory_space<smem>>
        %ne3A = arith.constant 0 : i32
        %ne3A_178 = arith.cmpi ne, %get3A_177, %ne3A : i32
        %get3A_179 = arith.constant 3 : i32
        %get3A_180 = arith.index_cast %get3A_179 : i32 to index
        %get3A_181 = memref.load %arg13[%get3A_180] : memref<8xi32, #tpu.memory_space<smem>>
        %get3A_182 = arith.constant 0 : index
        %get3A_183 = tpu.vector_load %arg12[%get3A_182] {strides = array<i32>} : memref<128xf32, #tpu.memory_space<vmem>>, vector<16xf32>,
        %get3A_184 = vector.shape_cast %get3A_183 : vector<16xf32> to vector<16xf32>
        %get3A_185 = arith.constant 16 : index
        %get3A_186 = tpu.vector_load %arg12[%get3A_185] {strides = array<i32>} : memref<128xf32, #tpu.memory_space<vmem>>, vector<16xf32>,
        %get3A_187 = vector.shape_cast %get3A_186 : vector<16xf32> to vector<16xf32>
        %get3A_188 = arith.constant 32 : index
        %get3A_189 = tpu.vector_load %arg12[%get3A_188] {strides = array<i32>} : memref<128xf32, #tpu.memory_space<vmem>>, vector<16xf32>,
        %get3A_190 = vector.shape_cast %get3A_189 : vector<16xf32> to vector<16xf32>
        %get3A_191 = arith.constant 48 : index
        %get3A_192 = tpu.vector_load %arg12[%get3A_191] {strides = array<i32>} : memref<128xf32, #tpu.memory_space<vmem>>, vector<16xf32>,
        %get3A_193 = vector.shape_cast %get3A_192 : vector<16xf32> to vector<16xf32>
        %get3A_194 = arith.constant 64 : index
        %get3A_195 = tpu.vector_load %arg12[%get3A_194] {strides = array<i32>} : memref<128xf32, #tpu.memory_space<vmem>>, vector<16xf32>,
        %get3A_196 = vector.shape_cast %get3A_195 : vector<16xf32> to vector<16xf32>
        %get3A_197 = arith.constant 80 : index
        %get3A_198 = tpu.vector_load %arg12[%get3A_197] {strides = array<i32>} : memref<128xf32, #tpu.memory_space<vmem>>, vector<16xf32>,
        %get3A_199 = vector.shape_cast %get3A_198 : vector<16xf32> to vector<16xf32>
        %get3A_200 = arith.constant 96 : index
        %get3A_201 = tpu.vector_load %arg12[%get3A_200] {strides = array<i32>} : memref<128xf32, #tpu.memory_space<vmem>>, vector<16xf32>,
        %get3A_202 = vector.shape_cast %get3A_201 : vector<16xf32> to vector<16xf32>
        %get3A_203 = arith.constant 112 : index
        %get3A_204 = tpu.vector_load %arg12[%get3A_203] {strides = array<i32>} : memref<128xf32, #tpu.memory_space<vmem>>, vector<16xf32>,
        %get3A_205 = vector.shape_cast %get3A_204 : vector<16xf32> to vector<16xf32>
        %scan3A = arith.constant false
        %scan3A_206 = arith.constant 0 : i32
        %scan3A_207 = arith.constant 200 : i32
        %scan3A_208 = arith.addi %scan3A_206, %scan3A_207 : i32
        %scan3A_209 = arith.constant 1 : i32
        %scan3A_210:12 = scf.for %scan3A_258 = %scan3A_206 to %scan3A_208 step %scan3A_209 iter_args(%scan3A_259 = %get3A_174, %scan3A_260 = %ne3A_178, %scan3A_261 = %scan3A, %scan3A_262 = %get3A_181, %scan3A_263 = %get3A_184, %scan3A_264 = %get3A_187, %scan3A_265 = %get3A_190, %scan3A_266 = %get3A_193, %scan3A_267 = %get3A_196, %scan3A_268 = %get3A_199, %scan3A_269 = %get3A_202, %scan3A_270 = %get3A_205) -> (i32, i1, i1, i32, vector<16xf32>, vector<16xf32>, vector<16xf32>, vector<16xf32>, vector<16xf32>, vector<16xf32>, vector<16xf32>, vector<16xf32>)  : i32 {
          %add3A_271 = arith.addi %mul3A_171, %scan3A_258 : i32
          %get3A_272 = arith.index_cast %scan3A_258 : i32 to index
          %get3A_273 = tpu.vector_load %arg7[%get3A_272] {strides = array<i32>} : memref<216xi32, #tpu.memory_space<vmem>>, vector<16xi32>,
          %get3A_274 = vector.shape_cast %get3A_273 : vector<16xi32> to vector<16xi32>
          %slice3A_275 = vector.extract_strided_slice %get3A_274 {offsets = [0], sizes = [1], strides = [1]} : vector<16xi32> to vector<1xi32>
          %squeeze3A_276 = vector.extract %slice3A_275[0] : i32 from vector<1xi32>
          %get3A_277 = arith.index_cast %scan3A_258 : i32 to index
          %get3A_278 = tpu.vector_load %arg8[%get3A_277] {strides = array<i32>} : memref<216xi32, #tpu.memory_space<vmem>>, vector<16xi32>,
          %get3A_279 = vector.shape_cast %get3A_278 : vector<16xi32> to vector<16xi32>
          %slice3A_280 = vector.extract_strided_slice %get3A_279 {offsets = [0], sizes = [1], strides = [1]} : vector<16xi32> to vector<1xi32>
          %squeeze3A_281 = vector.extract %slice3A_280[0] : i32 from vector<1xi32>
          %ne3A_282 = arith.cmpi ne, %squeeze3A_276, %scan3A_259 : i32
          %not3A = arith.constant true
          %not3A_283 = arith.xori %scan3A_260, %not3A : i1
          %ge3A_284 = arith.cmpi sge, %add3A_271, %add3A_4 : i32
          %not3A_285 = arith.constant true
          %not3A_286 = arith.xori %scan3A_261, %not3A_285 : i1
          %or3A = arith.ori %not3A_283, %ne3A_282 : i1
          %and3A = arith.andi %ge3A_284, %or3A : i1
          %and3A_287 = arith.andi %and3A, %not3A_286 : i1
          %not3A_288 = arith.constant true
          %not3A_289 = arith.xori %and3A_287, %not3A_288 : i1
          %and3A_290 = arith.andi %not3A_286, %not3A_289 : i1
          %eq3A_291 = arith.cmpi eq, %squeeze3A_276, %select_n3A : i32
          %and3A_292 = arith.andi %not3A_283, %eq3A_291 : i1
          %and3A_293 = arith.andi %and3A_292, %and3A_290 : i1
          %not3A_294 = arith.constant true
          %not3A_295 = arith.xori %and3A_293, %not3A_294 : i1
          %and3A_296 = arith.andi %and3A_290, %not3A_295 : i1
          %and3A_297 = arith.andi %and3A_296, %ne3A_282 : i1
          %convert_element_type3A_298 = arith.extui %and3A_297 : i1 to i32
          %cond3A_299 = arith.constant 0 : i32
          %cond3A_300 = arith.cmpi ne, %convert_element_type3A_298, %cond3A_299 : i32
          scf.if %cond3A_300 {
            %ge3A_378 = arith.constant 0 : i32
            %ge3A_379 = arith.cmpi sge, %scan3A_259, %ge3A_378 : i32
            %convert_element_type3A_380 = arith.extui %ge3A_379 : i1 to i32
            %cond3A_381 = arith.constant 0 : i32
            %cond3A_382 = arith.cmpi ne, %convert_element_type3A_380, %cond3A_381 : i32
            scf.if %cond3A_382 {
              %swap3A_401 = arith.constant 0 : index
              %swap3A_402 = tpu.vector_load %arg9[%swap3A_401] {strides = array<i32>} : memref<128xf32, #tpu.memory_space<vmem>>, vector<16xf32>,
              %swap3A_403 = vector.shape_cast %swap3A_402 : vector<16xf32> to vector<16xf32>
              %swap3A_404 = vector.shape_cast %scan3A_263 : vector<16xf32> to vector<16xf32>
              tpu.vector_store %arg9[%swap3A_401], %swap3A_404 {strides = array<i32>} : memref<128xf32, #tpu.memory_space<vmem>>, vector<16xf32>,
              %swap3A_405 = arith.constant 16 : index
              %swap3A_406 = tpu.vector_load %arg9[%swap3A_405] {strides = array<i32>} : memref<128xf32, #tpu.memory_space<vmem>>, vector<16xf32>,
              %swap3A_407 = vector.shape_cast %swap3A_406 : vector<16xf32> to vector<16xf32>
              %swap3A_408 = vector.shape_cast %scan3A_264 : vector<16xf32> to vector<16xf32>
              tpu.vector_store %arg9[%swap3A_405], %swap3A_408 {strides = array<i32>} : memref<128xf32, #tpu.memory_space<vmem>>, vector<16xf32>,
              %swap3A_409 = arith.constant 32 : index
              %swap3A_410 = tpu.vector_load %arg9[%swap3A_409] {strides = array<i32>} : memref<128xf32, #tpu.memory_space<vmem>>, vector<16xf32>,
              %swap3A_411 = vector.shape_cast %swap3A_410 : vector<16xf32> to vector<16xf32>
              %swap3A_412 = vector.shape_cast %scan3A_265 : vector<16xf32> to vector<16xf32>
              tpu.vector_store %arg9[%swap3A_409], %swap3A_412 {strides = array<i32>} : memref<128xf32, #tpu.memory_space<vmem>>, vector<16xf32>,
              %swap3A_413 = arith.constant 48 : index
              %swap3A_414 = tpu.vector_load %arg9[%swap3A_413] {strides = array<i32>} : memref<128xf32, #tpu.memory_space<vmem>>, vector<16xf32>,
              %swap3A_415 = vector.shape_cast %swap3A_414 : vector<16xf32> to vector<16xf32>
              %swap3A_416 = vector.shape_cast %scan3A_266 : vector<16xf32> to vector<16xf32>
              tpu.vector_store %arg9[%swap3A_413], %swap3A_416 {strides = array<i32>} : memref<128xf32, #tpu.memory_space<vmem>>, vector<16xf32>,
              %swap3A_417 = arith.constant 64 : index
              %swap3A_418 = tpu.vector_load %arg9[%swap3A_417] {strides = array<i32>} : memref<128xf32, #tpu.memory_space<vmem>>, vector<16xf32>,
              %swap3A_419 = vector.shape_cast %swap3A_418 : vector<16xf32> to vector<16xf32>
              %swap3A_420 = vector.shape_cast %scan3A_267 : vector<16xf32> to vector<16xf32>
              tpu.vector_store %arg9[%swap3A_417], %swap3A_420 {strides = array<i32>} : memref<128xf32, #tpu.memory_space<vmem>>, vector<16xf32>,
              %swap3A_421 = arith.constant 80 : index
              %swap3A_422 = tpu.vector_load %arg9[%swap3A_421] {strides = array<i32>} : memref<128xf32, #tpu.memory_space<vmem>>, vector<16xf32>,
              %swap3A_423 = vector.shape_cast %swap3A_422 : vector<16xf32> to vector<16xf32>
              %swap3A_424 = vector.shape_cast %scan3A_268 : vector<16xf32> to vector<16xf32>
              tpu.vector_store %arg9[%swap3A_421], %swap3A_424 {strides = array<i32>} : memref<128xf32, #tpu.memory_space<vmem>>, vector<16xf32>,
              %swap3A_425 = arith.constant 96 : index
              %swap3A_426 = tpu.vector_load %arg9[%swap3A_425] {strides = array<i32>} : memref<128xf32, #tpu.memory_space<vmem>>, vector<16xf32>,
              %swap3A_427 = vector.shape_cast %swap3A_426 : vector<16xf32> to vector<16xf32>
              %swap3A_428 = vector.shape_cast %scan3A_269 : vector<16xf32> to vector<16xf32>
              tpu.vector_store %arg9[%swap3A_425], %swap3A_428 {strides = array<i32>} : memref<128xf32, #tpu.memory_space<vmem>>, vector<16xf32>,
              %swap3A_429 = arith.constant 112 : index
              %swap3A_430 = tpu.vector_load %arg9[%swap3A_429] {strides = array<i32>} : memref<128xf32, #tpu.memory_space<vmem>>, vector<16xf32>,
              %swap3A_431 = vector.shape_cast %swap3A_430 : vector<16xf32> to vector<16xf32>
              %swap3A_432 = vector.shape_cast %scan3A_270 : vector<16xf32> to vector<16xf32>
              tpu.vector_store %arg9[%swap3A_429], %swap3A_432 {strides = array<i32>} : memref<128xf32, #tpu.memory_space<vmem>>, vector<16xf32>,
              "tpu.region"() ({
                %run_scoped3A = tpu.sem_alloc : memref<!tpu.dma_semaphore, #tpu.memory_space<semaphore_mem>>
                %dma_start3A = arith.constant 0 : i32
                %dma_start3A_433 = tpu.memref_slice %arg5[%scan3A_259, %dma_start3A] : memref<10000x128xf32, #tpu.memory_space<hbm>> -> memref<1x128xf32, #tpu.memory_space<hbm>>
                %dma_start3A_434 = tpu.memref_squeeze %dma_start3A_433 : memref<1x128xf32, #tpu.memory_space<hbm>> -> memref<128xf32, #tpu.memory_space<hbm>>
                %dma_start3A_435 = arith.constant 0 : i32
                %dma_start3A_436 = tpu.memref_slice %arg5[%scan3A_259, %dma_start3A_435] : memref<10000x128xf32, #tpu.memory_space<hbm>> -> memref<1x128xf32, #tpu.memory_space<hbm>>
                %dma_start3A_437 = tpu.memref_squeeze %dma_start3A_436 : memref<1x128xf32, #tpu.memory_space<hbm>> -> memref<128xf32, #tpu.memory_space<hbm>>
                tpu.enqueue_dma source(%arg9 : memref<128xf32, #tpu.memory_space<vmem>>) target(%dma_start3A_437 : memref<128xf32, #tpu.memory_space<hbm>>) target_semaphore(%run_scoped3A : memref<!tpu.dma_semaphore, #tpu.memory_space<semaphore_mem>>)
                %dma_wait3A = arith.constant 0 : i32
                %dma_wait3A_438 = tpu.memref_slice %arg5[%scan3A_259, %dma_wait3A] : memref<10000x128xf32, #tpu.memory_space<hbm>> -> memref<1x128xf32, #tpu.memory_space<hbm>>
                %dma_wait3A_439 = tpu.memref_squeeze %dma_wait3A_438 : memref<1x128xf32, #tpu.memory_space<hbm>> -> memref<128xf32, #tpu.memory_space<hbm>>
                %dma_wait3A_440 = arith.constant 0 : i32
                %dma_wait3A_441 = tpu.memref_slice %arg5[%scan3A_259, %dma_wait3A_440] : memref<10000x128xf32, #tpu.memory_space<hbm>> -> memref<1x128xf32, #tpu.memory_space<hbm>>
                %dma_wait3A_442 = tpu.memref_squeeze %dma_wait3A_441 : memref<1x128xf32, #tpu.memory_space<hbm>> -> memref<128xf32, #tpu.memory_space<hbm>>
                tpu.wait_dma2 semaphore(%run_scoped3A : memref<!tpu.dma_semaphore, #tpu.memory_space<semaphore_mem>>) src(%arg9 : memref<128xf32, #tpu.memory_space<vmem>>) dst(%dma_wait3A_442 : memref<128xf32, #tpu.memory_space<hbm>>)
                tpu.yield
              }) : () -> ()
            } else {
            }
            %ge3A_383 = arith.constant 0 : i32
            %ge3A_384 = arith.cmpi sge, %scan3A_259, %ge3A_383 : i32
            %add3A_385 = arith.constant 1 : i32
            %add3A_386 = arith.addi %scan3A_259, %add3A_385 : i32
            %eq3A_387 = arith.constant 0 : i32
            %eq3A_388 = arith.cmpi eq, %add3A, %eq3A_387 : i32
            %jit3A_389 = arith.constant 0 : i32
            %select_n3A_390 = arith.select %eq3A_388, %jit3A_389, %squeeze3A_276 : i32
            %select_n3A_391 = arith.select %ge3A_384, %add3A_386, %select_n3A_390 : i32
            %while3A_392 = arith.constant 0 : i32
            %while3A_393 = arith.subi %squeeze3A_276, %select_n3A_391 : i32
            %while3A_394 = arith.addi %select_n3A_391, %while3A_393 : i32
            %while3A_395 = arith.constant 1 : i32
            %while3A_396 = arith.divsi %while3A_393, %while3A_395 : i32
            %while3A_397 = arith.muli %while3A_396, %while3A_395 : i32
            %while3A_398 = arith.addi %select_n3A_391, %while3A_397 : i32
            %while3A_399 = arith.constant 1 : i32
            scf.for %while3A_401 = %select_n3A_391 to %while3A_398 step %while3A_399  : i32 {
              "tpu.region"() ({
                %run_scoped3A = tpu.sem_alloc : memref<!tpu.dma_semaphore, #tpu.memory_space<semaphore_mem>>
                %dma_start3A = arith.constant 0 : i32
                %dma_start3A_402 = tpu.memref_slice %arg5[%while3A_401, %dma_start3A] : memref<10000x128xf32, #tpu.memory_space<hbm>> -> memref<1x128xf32, #tpu.memory_space<hbm>>
                %dma_start3A_403 = tpu.memref_squeeze %dma_start3A_402 : memref<1x128xf32, #tpu.memory_space<hbm>> -> memref<128xf32, #tpu.memory_space<hbm>>
                %dma_start3A_404 = arith.constant 0 : i32
                %dma_start3A_405 = tpu.memref_slice %arg5[%while3A_401, %dma_start3A_404] : memref<10000x128xf32, #tpu.memory_space<hbm>> -> memref<1x128xf32, #tpu.memory_space<hbm>>
                %dma_start3A_406 = tpu.memref_squeeze %dma_start3A_405 : memref<1x128xf32, #tpu.memory_space<hbm>> -> memref<128xf32, #tpu.memory_space<hbm>>
                tpu.enqueue_dma source(%arg10 : memref<128xf32, #tpu.memory_space<vmem>>) target(%dma_start3A_406 : memref<128xf32, #tpu.memory_space<hbm>>) target_semaphore(%run_scoped3A : memref<!tpu.dma_semaphore, #tpu.memory_space<semaphore_mem>>)
                %dma_wait3A = arith.constant 0 : i32
                %dma_wait3A_407 = tpu.memref_slice %arg5[%while3A_401, %dma_wait3A] : memref<10000x128xf32, #tpu.memory_space<hbm>> -> memref<1x128xf32, #tpu.memory_space<hbm>>
                %dma_wait3A_408 = tpu.memref_squeeze %dma_wait3A_407 : memref<1x128xf32, #tpu.memory_space<hbm>> -> memref<128xf32, #tpu.memory_space<hbm>>
                %dma_wait3A_409 = arith.constant 0 : i32
                %dma_wait3A_410 = tpu.memref_slice %arg5[%while3A_401, %dma_wait3A_409] : memref<10000x128xf32, #tpu.memory_space<hbm>> -> memref<1x128xf32, #tpu.memory_space<hbm>>
                %dma_wait3A_411 = tpu.memref_squeeze %dma_wait3A_410 : memref<1x128xf32, #tpu.memory_space<hbm>> -> memref<128xf32, #tpu.memory_space<hbm>>
                tpu.wait_dma2 semaphore(%run_scoped3A : memref<!tpu.dma_semaphore, #tpu.memory_space<semaphore_mem>>) src(%arg10 : memref<128xf32, #tpu.memory_space<vmem>>) dst(%dma_wait3A_411 : memref<128xf32, #tpu.memory_space<hbm>>)
                tpu.yield
              }) : () -> ()
            }
            %while3A_400 = arith.constant 1 : i32
            scf.for %while3A_401 = %while3A_398 to %while3A_394 step %while3A_400  : i32 {
              "tpu.region"() ({
                %run_scoped3A = tpu.sem_alloc : memref<!tpu.dma_semaphore, #tpu.memory_space<semaphore_mem>>
                %dma_start3A = arith.constant 0 : i32
                %dma_start3A_402 = tpu.memref_slice %arg5[%while3A_401, %dma_start3A] : memref<10000x128xf32, #tpu.memory_space<hbm>> -> memref<1x128xf32, #tpu.memory_space<hbm>>
                %dma_start3A_403 = tpu.memref_squeeze %dma_start3A_402 : memref<1x128xf32, #tpu.memory_space<hbm>> -> memref<128xf32, #tpu.memory_space<hbm>>
                %dma_start3A_404 = arith.constant 0 : i32
                %dma_start3A_405 = tpu.memref_slice %arg5[%while3A_401, %dma_start3A_404] : memref<10000x128xf32, #tpu.memory_space<hbm>> -> memref<1x128xf32, #tpu.memory_space<hbm>>
                %dma_start3A_406 = tpu.memref_squeeze %dma_start3A_405 : memref<1x128xf32, #tpu.memory_space<hbm>> -> memref<128xf32, #tpu.memory_space<hbm>>
                tpu.enqueue_dma source(%arg10 : memref<128xf32, #tpu.memory_space<vmem>>) target(%dma_start3A_406 : memref<128xf32, #tpu.memory_space<hbm>>) target_semaphore(%run_scoped3A : memref<!tpu.dma_semaphore, #tpu.memory_space<semaphore_mem>>)
                %dma_wait3A = arith.constant 0 : i32
                %dma_wait3A_407 = tpu.memref_slice %arg5[%while3A_401, %dma_wait3A] : memref<10000x128xf32, #tpu.memory_space<hbm>> -> memref<1x128xf32, #tpu.memory_space<hbm>>
                %dma_wait3A_408 = tpu.memref_squeeze %dma_wait3A_407 : memref<1x128xf32, #tpu.memory_space<hbm>> -> memref<128xf32, #tpu.memory_space<hbm>>
                %dma_wait3A_409 = arith.constant 0 : i32
                %dma_wait3A_410 = tpu.memref_slice %arg5[%while3A_401, %dma_wait3A_409] : memref<10000x128xf32, #tpu.memory_space<hbm>> -> memref<1x128xf32, #tpu.memory_space<hbm>>
                %dma_wait3A_411 = tpu.memref_squeeze %dma_wait3A_410 : memref<1x128xf32, #tpu.memory_space<hbm>> -> memref<128xf32, #tpu.memory_space<hbm>>
                tpu.wait_dma2 semaphore(%run_scoped3A : memref<!tpu.dma_semaphore, #tpu.memory_space<semaphore_mem>>) src(%arg10 : memref<128xf32, #tpu.memory_space<vmem>>) dst(%dma_wait3A_411 : memref<128xf32, #tpu.memory_space<hbm>>)
                tpu.yield
              }) : () -> ()
            }
          } else {
          }
          %sub3A = arith.constant 1 : i32
          %sub3A_301 = arith.subi %sub3A, %squeeze3A_281 : i32
          %convert_element_type3A_302 = arith.sitofp %sub3A_301 : i32 to f32
          %select_n3A_303 = arith.select %and3A_297, %broadcast_in_dim3A_9, %scan3A_263 : vector<16xf32>
          %get3A_304 = arith.index_cast %scan3A_258 : i32 to index
          %get3A_305 = arith.constant 0 : index
          %get3A_306 = tpu.vector_load %arg6[%get3A_304, %get3A_305] {strides = array<i32>} : memref<200x128xf32, #tpu.memory_space<vmem>>, vector<1x16xf32>,
          %get3A_307 = vector.shape_cast %get3A_306 : vector<1x16xf32> to vector<16xf32>
          %mul3A_308 = vector.broadcast %convert_element_type3A_302 : f32 to vector<16xf32>
          %mul3A_309 = arith.mulf %get3A_307, %mul3A_308 : vector<16xf32>
          %max3A = arith.maximumf %select_n3A_303, %mul3A_309 : vector<16xf32>
          %select_n3A_310 = arith.select %and3A_296, %max3A, %select_n3A_303 : vector<16xf32>
          %select_n3A_311 = arith.select %and3A_297, %broadcast_in_dim3A_9, %scan3A_264 : vector<16xf32>
          %get3A_312 = arith.index_cast %scan3A_258 : i32 to index
          %get3A_313 = arith.constant 16 : index
          %get3A_314 = tpu.vector_load %arg6[%get3A_312, %get3A_313] {strides = array<i32>} : memref<200x128xf32, #tpu.memory_space<vmem>>, vector<1x16xf32>,
          %get3A_315 = vector.shape_cast %get3A_314 : vector<1x16xf32> to vector<16xf32>
          %mul3A_316 = vector.broadcast %convert_element_type3A_302 : f32 to vector<16xf32>
          %mul3A_317 = arith.mulf %get3A_315, %mul3A_316 : vector<16xf32>
          %max3A_318 = arith.maximumf %select_n3A_311, %mul3A_317 : vector<16xf32>
          %select_n3A_319 = arith.select %and3A_296, %max3A_318, %select_n3A_311 : vector<16xf32>
          %select_n3A_320 = arith.select %and3A_297, %broadcast_in_dim3A_9, %scan3A_265 : vector<16xf32>
          %get3A_321 = arith.index_cast %scan3A_258 : i32 to index
          %get3A_322 = arith.constant 32 : index
          %get3A_323 = tpu.vector_load %arg6[%get3A_321, %get3A_322] {strides = array<i32>} : memref<200x128xf32, #tpu.memory_space<vmem>>, vector<1x16xf32>,
          %get3A_324 = vector.shape_cast %get3A_323 : vector<1x16xf32> to vector<16xf32>
          %mul3A_325 = vector.broadcast %convert_element_type3A_302 : f32 to vector<16xf32>
          %mul3A_326 = arith.mulf %get3A_324, %mul3A_325 : vector<16xf32>
          %max3A_327 = arith.maximumf %select_n3A_320, %mul3A_326 : vector<16xf32>
          %select_n3A_328 = arith.select %and3A_296, %max3A_327, %select_n3A_320 : vector<16xf32>
          %select_n3A_329 = arith.select %and3A_297, %broadcast_in_dim3A_9, %scan3A_266 : vector<16xf32>
          %get3A_330 = arith.index_cast %scan3A_258 : i32 to index
          %get3A_331 = arith.constant 48 : index
          %get3A_332 = tpu.vector_load %arg6[%get3A_330, %get3A_331] {strides = array<i32>} : memref<200x128xf32, #tpu.memory_space<vmem>>, vector<1x16xf32>,
          %get3A_333 = vector.shape_cast %get3A_332 : vector<1x16xf32> to vector<16xf32>
          %mul3A_334 = vector.broadcast %convert_element_type3A_302 : f32 to vector<16xf32>
          %mul3A_335 = arith.mulf %get3A_333, %mul3A_334 : vector<16xf32>
          %max3A_336 = arith.maximumf %select_n3A_329, %mul3A_335 : vector<16xf32>
          %select_n3A_337 = arith.select %and3A_296, %max3A_336, %select_n3A_329 : vector<16xf32>
          %select_n3A_338 = arith.select %and3A_297, %broadcast_in_dim3A_9, %scan3A_267 : vector<16xf32>
          %get3A_339 = arith.index_cast %scan3A_258 : i32 to index
          %get3A_340 = arith.constant 64 : index
          %get3A_341 = tpu.vector_load %arg6[%get3A_339, %get3A_340] {strides = array<i32>} : memref<200x128xf32, #tpu.memory_space<vmem>>, vector<1x16xf32>,
          %get3A_342 = vector.shape_cast %get3A_341 : vector<1x16xf32> to vector<16xf32>
          %mul3A_343 = vector.broadcast %convert_element_type3A_302 : f32 to vector<16xf32>
          %mul3A_344 = arith.mulf %get3A_342, %mul3A_343 : vector<16xf32>
          %max3A_345 = arith.maximumf %select_n3A_338, %mul3A_344 : vector<16xf32>
          %select_n3A_346 = arith.select %and3A_296, %max3A_345, %select_n3A_338 : vector<16xf32>
          %select_n3A_347 = arith.select %and3A_297, %broadcast_in_dim3A_9, %scan3A_268 : vector<16xf32>
          %get3A_348 = arith.index_cast %scan3A_258 : i32 to index
          %get3A_349 = arith.constant 80 : index
          %get3A_350 = tpu.vector_load %arg6[%get3A_348, %get3A_349] {strides = array<i32>} : memref<200x128xf32, #tpu.memory_space<vmem>>, vector<1x16xf32>,
          %get3A_351 = vector.shape_cast %get3A_350 : vector<1x16xf32> to vector<16xf32>
          %mul3A_352 = vector.broadcast %convert_element_type3A_302 : f32 to vector<16xf32>
          %mul3A_353 = arith.mulf %get3A_351, %mul3A_352 : vector<16xf32>
          %max3A_354 = arith.maximumf %select_n3A_347, %mul3A_353 : vector<16xf32>
          %select_n3A_355 = arith.select %and3A_296, %max3A_354, %select_n3A_347 : vector<16xf32>
          %select_n3A_356 = arith.select %and3A_297, %broadcast_in_dim3A_9, %scan3A_269 : vector<16xf32>
          %get3A_357 = arith.index_cast %scan3A_258 : i32 to index
          %get3A_358 = arith.constant 96 : index
          %get3A_359 = tpu.vector_load %arg6[%get3A_357, %get3A_358] {strides = array<i32>} : memref<200x128xf32, #tpu.memory_space<vmem>>, vector<1x16xf32>,
          %get3A_360 = vector.shape_cast %get3A_359 : vector<1x16xf32> to vector<16xf32>
          %mul3A_361 = vector.broadcast %convert_element_type3A_302 : f32 to vector<16xf32>
          %mul3A_362 = arith.mulf %get3A_360, %mul3A_361 : vector<16xf32>
          %max3A_363 = arith.maximumf %select_n3A_356, %mul3A_362 : vector<16xf32>
          %select_n3A_364 = arith.select %and3A_296, %max3A_363, %select_n3A_356 : vector<16xf32>
          %select_n3A_365 = arith.select %and3A_297, %broadcast_in_dim3A_9, %scan3A_270 : vector<16xf32>
          %get3A_366 = arith.index_cast %scan3A_258 : i32 to index
          %get3A_367 = arith.constant 112 : index
          %get3A_368 = tpu.vector_load %arg6[%get3A_366, %get3A_367] {strides = array<i32>} : memref<200x128xf32, #tpu.memory_space<vmem>>, vector<1x16xf32>,
          %get3A_369 = vector.shape_cast %get3A_368 : vector<1x16xf32> to vector<16xf32>
          %mul3A_370 = vector.broadcast %convert_element_type3A_302 : f32 to vector<16xf32>
          %mul3A_371 = arith.mulf %get3A_369, %mul3A_370 : vector<16xf32>
          %max3A_372 = arith.maximumf %select_n3A_365, %mul3A_371 : vector<16xf32>
          %select_n3A_373 = arith.select %and3A_296, %max3A_372, %select_n3A_365 : vector<16xf32>
          %select_n3A_374 = arith.select %and3A_297, %squeeze3A_276, %scan3A_259 : i32
          %or3A_375 = arith.ori %scan3A_260, %and3A_297 : i1
          %or3A_376 = arith.ori %scan3A_261, %and3A_287 : i1
          %select_n3A_377 = arith.select %and3A_287, %squeeze3A_276, %scan3A_262 : i32
          scf.yield %select_n3A_374, %or3A_375, %or3A_376, %select_n3A_377, %select_n3A_310, %select_n3A_319, %select_n3A_328, %select_n3A_337, %select_n3A_346, %select_n3A_355, %select_n3A_364, %select_n3A_373 : i32, i1, i1, i32, vector<16xf32>, vector<16xf32>, vector<16xf32>, vector<16xf32>, vector<16xf32>, vector<16xf32>, vector<16xf32>, vector<16xf32>
        }
        %scan3A_211 = arith.constant 200 : i32
        %swap3A_212 = arith.constant 1 : i32
        %swap3A_213 = arith.index_cast %swap3A_212 : i32 to index
        %swap3A_214 = memref.load %arg13[%swap3A_213] : memref<8xi32, #tpu.memory_space<smem>>
        memref.store %scan3A_210#0, %arg13[%swap3A_213] : memref<8xi32, #tpu.memory_space<smem>>
        %convert_element_type3A_215 = arith.extui %scan3A_210#1 : i1 to i32
        %swap3A_216 = arith.constant 2 : i32
        %swap3A_217 = arith.index_cast %swap3A_216 : i32 to index
        %swap3A_218 = memref.load %arg13[%swap3A_217] : memref<8xi32, #tpu.memory_space<smem>>
        memref.store %convert_element_type3A_215, %arg13[%swap3A_217] : memref<8xi32, #tpu.memory_space<smem>>
        %swap3A_219 = arith.constant 3 : i32
        %swap3A_220 = arith.index_cast %swap3A_219 : i32 to index
        %swap3A_221 = memref.load %arg13[%swap3A_220] : memref<8xi32, #tpu.memory_space<smem>>
        memref.store %scan3A_210#3, %arg13[%swap3A_220] : memref<8xi32, #tpu.memory_space<smem>>
        %convert_element_type3A_222 = arith.extui %scan3A_210#2 : i1 to i32
        %swap3A_223 = arith.constant 0 : i32
        %swap3A_224 = arith.index_cast %swap3A_223 : i32 to index
        %swap3A_225 = memref.load %arg13[%swap3A_224] : memref<8xi32, #tpu.memory_space<smem>>
        memref.store %convert_element_type3A_222, %arg13[%swap3A_224] : memref<8xi32, #tpu.memory_space<smem>>
        %swap3A_226 = arith.constant 0 : index
        %swap3A_227 = tpu.vector_load %arg12[%swap3A_226] {strides = array<i32>} : memref<128xf32, #tpu.memory_space<vmem>>, vector<16xf32>,
        %swap3A_228 = vector.shape_cast %swap3A_227 : vector<16xf32> to vector<16xf32>
        %swap3A_229 = vector.shape_cast %scan3A_210#4 : vector<16xf32> to vector<16xf32>
        tpu.vector_store %arg12[%swap3A_226], %swap3A_229 {strides = array<i32>} : memref<128xf32, #tpu.memory_space<vmem>>, vector<16xf32>,
        %swap3A_230 = arith.constant 16 : index
        %swap3A_231 = tpu.vector_load %arg12[%swap3A_230] {strides = array<i32>} : memref<128xf32, #tpu.memory_space<vmem>>, vector<16xf32>,
        %swap3A_232 = vector.shape_cast %swap3A_231 : vector<16xf32> to vector<16xf32>
        %swap3A_233 = vector.shape_cast %scan3A_210#5 : vector<16xf32> to vector<16xf32>
        tpu.vector_store %arg12[%swap3A_230], %swap3A_233 {strides = array<i32>} : memref<128xf32, #tpu.memory_space<vmem>>, vector<16xf32>,
        %swap3A_234 = arith.constant 32 : index
        %swap3A_235 = tpu.vector_load %arg12[%swap3A_234] {strides = array<i32>} : memref<128xf32, #tpu.memory_space<vmem>>, vector<16xf32>,
        %swap3A_236 = vector.shape_cast %swap3A_235 : vector<16xf32> to vector<16xf32>
        %swap3A_237 = vector.shape_cast %scan3A_210#6 : vector<16xf32> to vector<16xf32>
        tpu.vector_store %arg12[%swap3A_234], %swap3A_237 {strides = array<i32>} : memref<128xf32, #tpu.memory_space<vmem>>, vector<16xf32>,
        %swap3A_238 = arith.constant 48 : index
        %swap3A_239 = tpu.vector_load %arg12[%swap3A_238] {strides = array<i32>} : memref<128xf32, #tpu.memory_space<vmem>>, vector<16xf32>,
        %swap3A_240 = vector.shape_cast %swap3A_239 : vector<16xf32> to vector<16xf32>
        %swap3A_241 = vector.shape_cast %scan3A_210#7 : vector<16xf32> to vector<16xf32>
        tpu.vector_store %arg12[%swap3A_238], %swap3A_241 {strides = array<i32>} : memref<128xf32, #tpu.memory_space<vmem>>, vector<16xf32>,
        %swap3A_242 = arith.constant 64 : index
        %swap3A_243 = tpu.vector_load %arg12[%swap3A_242] {strides = array<i32>} : memref<128xf32, #tpu.memory_space<vmem>>, vector<16xf32>,
        %swap3A_244 = vector.shape_cast %swap3A_243 : vector<16xf32> to vector<16xf32>
        %swap3A_245 = vector.shape_cast %scan3A_210#8 : vector<16xf32> to vector<16xf32>
        tpu.vector_store %arg12[%swap3A_242], %swap3A_245 {strides = array<i32>} : memref<128xf32, #tpu.memory_space<vmem>>, vector<16xf32>,
        %swap3A_246 = arith.constant 80 : index
        %swap3A_247 = tpu.vector_load %arg12[%swap3A_246] {strides = array<i32>} : memref<128xf32, #tpu.memory_space<vmem>>, vector<16xf32>,
        %swap3A_248 = vector.shape_cast %swap3A_247 : vector<16xf32> to vector<16xf32>
        %swap3A_249 = vector.shape_cast %scan3A_210#9 : vector<16xf32> to vector<16xf32>
        tpu.vector_store %arg12[%swap3A_246], %swap3A_249 {strides = array<i32>} : memref<128xf32, #tpu.memory_space<vmem>>, vector<16xf32>,
        %swap3A_250 = arith.constant 96 : index
        %swap3A_251 = tpu.vector_load %arg12[%swap3A_250] {strides = array<i32>} : memref<128xf32, #tpu.memory_space<vmem>>, vector<16xf32>,
        %swap3A_252 = vector.shape_cast %swap3A_251 : vector<16xf32> to vector<16xf32>
        %swap3A_253 = vector.shape_cast %scan3A_210#10 : vector<16xf32> to vector<16xf32>
        tpu.vector_store %arg12[%swap3A_250], %swap3A_253 {strides = array<i32>} : memref<128xf32, #tpu.memory_space<vmem>>, vector<16xf32>,
        %swap3A_254 = arith.constant 112 : index
        %swap3A_255 = tpu.vector_load %arg12[%swap3A_254] {strides = array<i32>} : memref<128xf32, #tpu.memory_space<vmem>>, vector<16xf32>,
        %swap3A_256 = vector.shape_cast %swap3A_255 : vector<16xf32> to vector<16xf32>
        %swap3A_257 = vector.shape_cast %scan3A_210#11 : vector<16xf32> to vector<16xf32>
        tpu.vector_store %arg12[%swap3A_254], %swap3A_257 {strides = array<i32>} : memref<128xf32, #tpu.memory_space<vmem>>, vector<16xf32>,
      } else {
      }
    }
    %get3A_110 = arith.constant 1 : i32
    %get3A_111 = arith.index_cast %get3A_110 : i32 to index
    %get3A_112 = memref.load %arg13[%get3A_111] : memref<8xi32, #tpu.memory_space<smem>>
    %get3A_113 = arith.constant 3 : i32
    %get3A_114 = arith.index_cast %get3A_113 : i32 to index
    %get3A_115 = memref.load %arg13[%get3A_114] : memref<8xi32, #tpu.memory_space<smem>>
    %get3A_116 = arith.constant 0 : index
    %get3A_117 = tpu.vector_load %arg12[%get3A_116] {strides = array<i32>} : memref<128xf32, #tpu.memory_space<vmem>>, vector<16xf32>,
    %get3A_118 = vector.shape_cast %get3A_117 : vector<16xf32> to vector<16xf32>
    %get3A_119 = arith.constant 16 : index
    %get3A_120 = tpu.vector_load %arg12[%get3A_119] {strides = array<i32>} : memref<128xf32, #tpu.memory_space<vmem>>, vector<16xf32>,
    %get3A_121 = vector.shape_cast %get3A_120 : vector<16xf32> to vector<16xf32>
    %get3A_122 = arith.constant 32 : index
    %get3A_123 = tpu.vector_load %arg12[%get3A_122] {strides = array<i32>} : memref<128xf32, #tpu.memory_space<vmem>>, vector<16xf32>,
    %get3A_124 = vector.shape_cast %get3A_123 : vector<16xf32> to vector<16xf32>
    %get3A_125 = arith.constant 48 : index
    %get3A_126 = tpu.vector_load %arg12[%get3A_125] {strides = array<i32>} : memref<128xf32, #tpu.memory_space<vmem>>, vector<16xf32>,
    %get3A_127 = vector.shape_cast %get3A_126 : vector<16xf32> to vector<16xf32>
    %get3A_128 = arith.constant 64 : index
    %get3A_129 = tpu.vector_load %arg12[%get3A_128] {strides = array<i32>} : memref<128xf32, #tpu.memory_space<vmem>>, vector<16xf32>,
    %get3A_130 = vector.shape_cast %get3A_129 : vector<16xf32> to vector<16xf32>
    %get3A_131 = arith.constant 80 : index
    %get3A_132 = tpu.vector_load %arg12[%get3A_131] {strides = array<i32>} : memref<128xf32, #tpu.memory_space<vmem>>, vector<16xf32>,
    %get3A_133 = vector.shape_cast %get3A_132 : vector<16xf32> to vector<16xf32>
    %get3A_134 = arith.constant 96 : index
    %get3A_135 = tpu.vector_load %arg12[%get3A_134] {strides = array<i32>} : memref<128xf32, #tpu.memory_space<vmem>>, vector<16xf32>,
    %get3A_136 = vector.shape_cast %get3A_135 : vector<16xf32> to vector<16xf32>
    %get3A_137 = arith.constant 112 : index
    %get3A_138 = tpu.vector_load %arg12[%get3A_137] {strides = array<i32>} : memref<128xf32, #tpu.memory_space<vmem>>, vector<16xf32>,
    %get3A_139 = vector.shape_cast %get3A_138 : vector<16xf32> to vector<16xf32>
    %ge3A = arith.constant 0 : i32
    %ge3A_140 = arith.cmpi sge, %get3A_112, %ge3A : i32
    %convert_element_type3A_141 = arith.extui %ge3A_140 : i1 to i32
    %cond3A_142 = arith.constant 0 : i32
    %cond3A_143 = arith.cmpi ne, %convert_element_type3A_141, %cond3A_142 : i32
    scf.if %cond3A_143 {
      %swap3A_161 = arith.constant 0 : index
      %swap3A_162 = tpu.vector_load %arg9[%swap3A_161] {strides = array<i32>} : memref<128xf32, #tpu.memory_space<vmem>>, vector<16xf32>,
      %swap3A_163 = vector.shape_cast %swap3A_162 : vector<16xf32> to vector<16xf32>
      %swap3A_164 = vector.shape_cast %get3A_118 : vector<16xf32> to vector<16xf32>
      tpu.vector_store %arg9[%swap3A_161], %swap3A_164 {strides = array<i32>} : memref<128xf32, #tpu.memory_space<vmem>>, vector<16xf32>,
      %swap3A_165 = arith.constant 16 : index
      %swap3A_166 = tpu.vector_load %arg9[%swap3A_165] {strides = array<i32>} : memref<128xf32, #tpu.memory_space<vmem>>, vector<16xf32>,
      %swap3A_167 = vector.shape_cast %swap3A_166 : vector<16xf32> to vector<16xf32>
      %swap3A_168 = vector.shape_cast %get3A_121 : vector<16xf32> to vector<16xf32>
      tpu.vector_store %arg9[%swap3A_165], %swap3A_168 {strides = array<i32>} : memref<128xf32, #tpu.memory_space<vmem>>, vector<16xf32>,
      %swap3A_169 = arith.constant 32 : index
      %swap3A_170 = tpu.vector_load %arg9[%swap3A_169] {strides = array<i32>} : memref<128xf32, #tpu.memory_space<vmem>>, vector<16xf32>,
      %swap3A_171 = vector.shape_cast %swap3A_170 : vector<16xf32> to vector<16xf32>
      %swap3A_172 = vector.shape_cast %get3A_124 : vector<16xf32> to vector<16xf32>
      tpu.vector_store %arg9[%swap3A_169], %swap3A_172 {strides = array<i32>} : memref<128xf32, #tpu.memory_space<vmem>>, vector<16xf32>,
      %swap3A_173 = arith.constant 48 : index
      %swap3A_174 = tpu.vector_load %arg9[%swap3A_173] {strides = array<i32>} : memref<128xf32, #tpu.memory_space<vmem>>, vector<16xf32>,
      %swap3A_175 = vector.shape_cast %swap3A_174 : vector<16xf32> to vector<16xf32>
      %swap3A_176 = vector.shape_cast %get3A_127 : vector<16xf32> to vector<16xf32>
      tpu.vector_store %arg9[%swap3A_173], %swap3A_176 {strides = array<i32>} : memref<128xf32, #tpu.memory_space<vmem>>, vector<16xf32>,
      %swap3A_177 = arith.constant 64 : index
      %swap3A_178 = tpu.vector_load %arg9[%swap3A_177] {strides = array<i32>} : memref<128xf32, #tpu.memory_space<vmem>>, vector<16xf32>,
      %swap3A_179 = vector.shape_cast %swap3A_178 : vector<16xf32> to vector<16xf32>
      %swap3A_180 = vector.shape_cast %get3A_130 : vector<16xf32> to vector<16xf32>
      tpu.vector_store %arg9[%swap3A_177], %swap3A_180 {strides = array<i32>} : memref<128xf32, #tpu.memory_space<vmem>>, vector<16xf32>,
      %swap3A_181 = arith.constant 80 : index
      %swap3A_182 = tpu.vector_load %arg9[%swap3A_181] {strides = array<i32>} : memref<128xf32, #tpu.memory_space<vmem>>, vector<16xf32>,
      %swap3A_183 = vector.shape_cast %swap3A_182 : vector<16xf32> to vector<16xf32>
      %swap3A_184 = vector.shape_cast %get3A_133 : vector<16xf32> to vector<16xf32>
      tpu.vector_store %arg9[%swap3A_181], %swap3A_184 {strides = array<i32>} : memref<128xf32, #tpu.memory_space<vmem>>, vector<16xf32>,
      %swap3A_185 = arith.constant 96 : index
      %swap3A_186 = tpu.vector_load %arg9[%swap3A_185] {strides = array<i32>} : memref<128xf32, #tpu.memory_space<vmem>>, vector<16xf32>,
      %swap3A_187 = vector.shape_cast %swap3A_186 : vector<16xf32> to vector<16xf32>
      %swap3A_188 = vector.shape_cast %get3A_136 : vector<16xf32> to vector<16xf32>
      tpu.vector_store %arg9[%swap3A_185], %swap3A_188 {strides = array<i32>} : memref<128xf32, #tpu.memory_space<vmem>>, vector<16xf32>,
      %swap3A_189 = arith.constant 112 : index
      %swap3A_190 = tpu.vector_load %arg9[%swap3A_189] {strides = array<i32>} : memref<128xf32, #tpu.memory_space<vmem>>, vector<16xf32>,
      %swap3A_191 = vector.shape_cast %swap3A_190 : vector<16xf32> to vector<16xf32>
      %swap3A_192 = vector.shape_cast %get3A_139 : vector<16xf32> to vector<16xf32>
      tpu.vector_store %arg9[%swap3A_189], %swap3A_192 {strides = array<i32>} : memref<128xf32, #tpu.memory_space<vmem>>, vector<16xf32>,
      "tpu.region"() ({
        %run_scoped3A = tpu.sem_alloc : memref<!tpu.dma_semaphore, #tpu.memory_space<semaphore_mem>>
        %dma_start3A = arith.constant 0 : i32
        %dma_start3A_193 = tpu.memref_slice %arg5[%get3A_112, %dma_start3A] : memref<10000x128xf32, #tpu.memory_space<hbm>> -> memref<1x128xf32, #tpu.memory_space<hbm>>
        %dma_start3A_194 = tpu.memref_squeeze %dma_start3A_193 : memref<1x128xf32, #tpu.memory_space<hbm>> -> memref<128xf32, #tpu.memory_space<hbm>>
        %dma_start3A_195 = arith.constant 0 : i32
        %dma_start3A_196 = tpu.memref_slice %arg5[%get3A_112, %dma_start3A_195] : memref<10000x128xf32, #tpu.memory_space<hbm>> -> memref<1x128xf32, #tpu.memory_space<hbm>>
        %dma_start3A_197 = tpu.memref_squeeze %dma_start3A_196 : memref<1x128xf32, #tpu.memory_space<hbm>> -> memref<128xf32, #tpu.memory_space<hbm>>
        tpu.enqueue_dma source(%arg9 : memref<128xf32, #tpu.memory_space<vmem>>) target(%dma_start3A_197 : memref<128xf32, #tpu.memory_space<hbm>>) target_semaphore(%run_scoped3A : memref<!tpu.dma_semaphore, #tpu.memory_space<semaphore_mem>>)
        %dma_wait3A = arith.constant 0 : i32
        %dma_wait3A_198 = tpu.memref_slice %arg5[%get3A_112, %dma_wait3A] : memref<10000x128xf32, #tpu.memory_space<hbm>> -> memref<1x128xf32, #tpu.memory_space<hbm>>
        %dma_wait3A_199 = tpu.memref_squeeze %dma_wait3A_198 : memref<1x128xf32, #tpu.memory_space<hbm>> -> memref<128xf32, #tpu.memory_space<hbm>>
        %dma_wait3A_200 = arith.constant 0 : i32
        %dma_wait3A_201 = tpu.memref_slice %arg5[%get3A_112, %dma_wait3A_200] : memref<10000x128xf32, #tpu.memory_space<hbm>> -> memref<1x128xf32, #tpu.memory_space<hbm>>
        %dma_wait3A_202 = tpu.memref_squeeze %dma_wait3A_201 : memref<1x128xf32, #tpu.memory_space<hbm>> -> memref<128xf32, #tpu.memory_space<hbm>>
        tpu.wait_dma2 semaphore(%run_scoped3A : memref<!tpu.dma_semaphore, #tpu.memory_space<semaphore_mem>>) src(%arg9 : memref<128xf32, #tpu.memory_space<vmem>>) dst(%dma_wait3A_202 : memref<128xf32, #tpu.memory_space<hbm>>)
        tpu.yield
      }) : () -> ()
    } else {
    }
    %ge3A_144 = arith.constant 0 : i32
    %ge3A_145 = arith.cmpi sge, %get3A_112, %ge3A_144 : i32
    %add3A_146 = arith.constant 1 : i32
    %add3A_147 = arith.addi %get3A_112, %add3A_146 : i32
    %eq3A = arith.constant 0 : i32
    %eq3A_148 = arith.cmpi eq, %add3A, %eq3A : i32
    %jit3A_149 = arith.constant 0 : i32
    %select_n3A_150 = arith.select %eq3A_148, %jit3A_149, %get3A_115 : i32
    %select_n3A_151 = arith.select %ge3A_145, %add3A_147, %select_n3A_150 : i32
    %while3A_152 = arith.constant 0 : i32
    %while3A_153 = arith.subi %get3A_115, %select_n3A_151 : i32
    %while3A_154 = arith.addi %select_n3A_151, %while3A_153 : i32
    %while3A_155 = arith.constant 1 : i32
    %while3A_156 = arith.divsi %while3A_153, %while3A_155 : i32
    %while3A_157 = arith.muli %while3A_156, %while3A_155 : i32
    %while3A_158 = arith.addi %select_n3A_151, %while3A_157 : i32
    %while3A_159 = arith.constant 1 : i32
    scf.for %while3A_161 = %select_n3A_151 to %while3A_158 step %while3A_159  : i32 {
      "tpu.region"() ({
        %run_scoped3A = tpu.sem_alloc : memref<!tpu.dma_semaphore, #tpu.memory_space<semaphore_mem>>
        %dma_start3A = arith.constant 0 : i32
        %dma_start3A_162 = tpu.memref_slice %arg5[%while3A_161, %dma_start3A] : memref<10000x128xf32, #tpu.memory_space<hbm>> -> memref<1x128xf32, #tpu.memory_space<hbm>>
        %dma_start3A_163 = tpu.memref_squeeze %dma_start3A_162 : memref<1x128xf32, #tpu.memory_space<hbm>> -> memref<128xf32, #tpu.memory_space<hbm>>
        %dma_start3A_164 = arith.constant 0 : i32
        %dma_start3A_165 = tpu.memref_slice %arg5[%while3A_161, %dma_start3A_164] : memref<10000x128xf32, #tpu.memory_space<hbm>> -> memref<1x128xf32, #tpu.memory_space<hbm>>
        %dma_start3A_166 = tpu.memref_squeeze %dma_start3A_165 : memref<1x128xf32, #tpu.memory_space<hbm>> -> memref<128xf32, #tpu.memory_space<hbm>>
        tpu.enqueue_dma source(%arg10 : memref<128xf32, #tpu.memory_space<vmem>>) target(%dma_start3A_166 : memref<128xf32, #tpu.memory_space<hbm>>) target_semaphore(%run_scoped3A : memref<!tpu.dma_semaphore, #tpu.memory_space<semaphore_mem>>)
        %dma_wait3A = arith.constant 0 : i32
        %dma_wait3A_167 = tpu.memref_slice %arg5[%while3A_161, %dma_wait3A] : memref<10000x128xf32, #tpu.memory_space<hbm>> -> memref<1x128xf32, #tpu.memory_space<hbm>>
        %dma_wait3A_168 = tpu.memref_squeeze %dma_wait3A_167 : memref<1x128xf32, #tpu.memory_space<hbm>> -> memref<128xf32, #tpu.memory_space<hbm>>
        %dma_wait3A_169 = arith.constant 0 : i32
        %dma_wait3A_170 = tpu.memref_slice %arg5[%while3A_161, %dma_wait3A_169] : memref<10000x128xf32, #tpu.memory_space<hbm>> -> memref<1x128xf32, #tpu.memory_space<hbm>>
        %dma_wait3A_171 = tpu.memref_squeeze %dma_wait3A_170 : memref<1x128xf32, #tpu.memory_space<hbm>> -> memref<128xf32, #tpu.memory_space<hbm>>
        tpu.wait_dma2 semaphore(%run_scoped3A : memref<!tpu.dma_semaphore, #tpu.memory_space<semaphore_mem>>) src(%arg10 : memref<128xf32, #tpu.memory_space<vmem>>) dst(%dma_wait3A_171 : memref<128xf32, #tpu.memory_space<hbm>>)
        tpu.yield
      }) : () -> ()
    }
    %while3A_160 = arith.constant 1 : i32
    scf.for %while3A_161 = %while3A_158 to %while3A_154 step %while3A_160  : i32 {
      "tpu.region"() ({
        %run_scoped3A = tpu.sem_alloc : memref<!tpu.dma_semaphore, #tpu.memory_space<semaphore_mem>>
        %dma_start3A = arith.constant 0 : i32
        %dma_start3A_162 = tpu.memref_slice %arg5[%while3A_161, %dma_start3A] : memref<10000x128xf32, #tpu.memory_space<hbm>> -> memref<1x128xf32, #tpu.memory_space<hbm>>
        %dma_start3A_163 = tpu.memref_squeeze %dma_start3A_162 : memref<1x128xf32, #tpu.memory_space<hbm>> -> memref<128xf32, #tpu.memory_space<hbm>>
        %dma_start3A_164 = arith.constant 0 : i32
        %dma_start3A_165 = tpu.memref_slice %arg5[%while3A_161, %dma_start3A_164] : memref<10000x128xf32, #tpu.memory_space<hbm>> -> memref<1x128xf32, #tpu.memory_space<hbm>>
        %dma_start3A_166 = tpu.memref_squeeze %dma_start3A_165 : memref<1x128xf32, #tpu.memory_space<hbm>> -> memref<128xf32, #tpu.memory_space<hbm>>
        tpu.enqueue_dma source(%arg10 : memref<128xf32, #tpu.memory_space<vmem>>) target(%dma_start3A_166 : memref<128xf32, #tpu.memory_space<hbm>>) target_semaphore(%run_scoped3A : memref<!tpu.dma_semaphore, #tpu.memory_space<semaphore_mem>>)
        %dma_wait3A = arith.constant 0 : i32
        %dma_wait3A_167 = tpu.memref_slice %arg5[%while3A_161, %dma_wait3A] : memref<10000x128xf32, #tpu.memory_space<hbm>> -> memref<1x128xf32, #tpu.memory_space<hbm>>
        %dma_wait3A_168 = tpu.memref_squeeze %dma_wait3A_167 : memref<1x128xf32, #tpu.memory_space<hbm>> -> memref<128xf32, #tpu.memory_space<hbm>>
        %dma_wait3A_169 = arith.constant 0 : i32
        %dma_wait3A_170 = tpu.memref_slice %arg5[%while3A_161, %dma_wait3A_169] : memref<10000x128xf32, #tpu.memory_space<hbm>> -> memref<1x128xf32, #tpu.memory_space<hbm>>
        %dma_wait3A_171 = tpu.memref_squeeze %dma_wait3A_170 : memref<1x128xf32, #tpu.memory_space<hbm>> -> memref<128xf32, #tpu.memory_space<hbm>>
        tpu.wait_dma2 semaphore(%run_scoped3A : memref<!tpu.dma_semaphore, #tpu.memory_space<semaphore_mem>>) src(%arg10 : memref<128xf32, #tpu.memory_space<vmem>>) dst(%dma_wait3A_171 : memref<128xf32, #tpu.memory_space<hbm>>)
        tpu.yield
      }) : () -> ()
    }
    return
  }
}

</mosaic_0001>

<sc_bundles>
// kernel: kernel.3.cloned.1.call-start
scs
__scs_entry_jumppad:
0x0: {  	(pc) =	sbr.rel $0x88, $3  }
0x1: {  	(tag) =	ssettag $0x0;
	lr =	simm.s32 $0x1  }
0x2: {  	[smem:$0x3F9E] =	sst lr;
	_ =	strace $0xD0000000  }
0x3: {  	_ = 	snop  }
0x4: {  	_ = 	snop  }
0x5: {  	_ = 	snop  }
0x6: {  	_ = 	snop  }
0x7: {  	_ = 	snop  }
__scs_overlays_trampoline_lowered:
0x8: {  	[smem:$0x3FAD] =	sst s0  }
0x9: {  	[smem:$0x3FAE] =	sst s1  }
0xa: {  	[smem:$0x3FAF] =	sst s2  }
0xb: {  	[smem:$0x3FB0] =	sst s3  }
0xc: {  	[smem:$0x3FB1] =	sst s4  }
0xd: {  	[smem:$0x3FB2] =	sst s5  }
0xe: {  	[smem:$0x3FB3] =	sst s6  }
0xf: {  	[smem:$0x3FB4] =	sst s7  }
0x10: {  	[smem:$0x3FB5] =	sst s8  }
0x11: {  	[smem:$0x3FB6] =	sst s9;
	s0 =	simm.s32 @!p0 $0x0  }
0x12: {  	s1 =	sld [smem:$0x3F9C];
	s0 =	simm.s32 @p0 $0x1  }
0x13: {  	[smem:$0x3FB7] =	sst s0;
	s0 =	simm.s32 @!p1 $0x0  }
0x14: {  	s2 =	sld [smem:$0x3F9B];
	s0 =	simm.s32 @p1 $0x1  }
0x15: {  	[smem:$0x3FB8] =	sst s0;
	s0 =	simm.s32 @!p2 $0x0  }
0x16: {  	s3 =	sld [smem:$0x3FDB];
	s0 =	simm.s32 @p2 $0x1  }
0x17: {  	s4 =	simm.s32 $0x1BF5;
	[smem:$0x3FBA] =	sst s0  }
0x18: {  	s0 =	sld [smem:$0x3F9D];
	_ =	swait.ge [sflag:s4], $0x0  }
0x19: {  	s7 =	sld [smem:$0x3F9E]  }
0x1a: {  	s8 =	sadd.s32 $0xFFFFE003, lr  }
0x1b: {  	s9 =	sadd.s32 $0xFFFFFEF7, lr;
	s5 =	simm.s32 $0xFFFFFFFF;
	p2 =	slt.u32 s8, $0xFFFFF086  }
0x1c: {  	p1 =	slt.u32 s9, $0xF7A;
	s5 =	simm.s32 @!p2 $0x0  }
0x1d: {  	s5 =	simm.s32 @p1 $0x1;
	p0 =	seq.s32 s7, s2  }
0x1e: {  	s7 =	smul.u32 @!p0 $0xF7A, s2;
	p2 =	seq.s32 @!p0 s5, $0x0  }
0x1f: {  	s9 =	smul.u32 $0xF7A, s1;
	s8 =	simm.s32 @!p0 $0x1BF5;
	p2 =	por !p2, p0  }
0x20: {  	[sflag:s8] =	ssyncset.s32 @!p0 $0xFFFFF086;
	s6 =	sadd.s32 @!p0 s3, s7;
	s7 =	simm.s32 @!p0 $0x108  }
0x21: {  	s3 =	sadd.s32 s3, s9;
	s6 =	sadd.s32 @!p0 $0x88, s6;
	s7 =	simm.s32 @p2 $0x1082  }
0x22: {  	[simem:s7], [sflag:s8] =	dma.local @!p0 [hbm:s6], $0xF7A  }
0x23: {  	s9 =	sor.u32 $0xD0000000, s2;
	s6 =	simm.s32 $0x108;
	_ =	swait.ge @!p0 [sflag:s8], $0x0  }
0x24: {  	s3 =	sadd.s32 $0x88, s3;
	s6 =	simm.s32 @!p1 $0x1082;
	[sflag:s4] =	ssyncset.s32 $0xFFFFF086  }
0x25: {  	[simem:s6], [sflag:s4] =	dma.local [hbm:s3], $0xF7A  }
0x26: {  	[smem:$0x3F9E] =	sst s1;
	(tag) =	ssettag s2;
	_ =	strace s9  }
0x27: {  	s1 =	sld [smem:$0x3FAE]  }
0x28: {  	s2 =	sld [smem:$0x3FAF]  }
0x29: {  	s4 =	sld [smem:$0x3FB1]  }
0x2a: {  	p0 =	seq.s32 s5, $0x0;
	s5 =	sld [smem:$0x3FB2]  }
0x2b: {  	s6 =	sld [smem:$0x3FB3]  }
0x2c: {  	s7 =	sld [smem:$0x3FB4]  }
0x2d: {  	s3 =	simm.s32 $0x108;
	s8 =	sld [smem:$0x3FB5]  }
0x2e: {  	s3 =	simm.s32 @!p0 $0x1082;
	s9 =	sld [smem:$0x3FB6]  }
0x2f: {  	lr =	sadd.s32 s0, s3;
	s0 =	sld [smem:$0x3FAD]  }
0x30: {  	s3 =	sld [smem:$0x3FB0]  }
0x31: {  	[smem:$0x3FB9] =	sst s10  }
0x32: {  	s10 =	sld [smem:$0x3FB7];
	_ =	sdelay $0x3  }
0x33: {  	p0 =	seq.s32 s10, $0x1;
	s10 =	sld [smem:$0x3FB9];
	_ =	sdelay $0x3  }
0x34: {  	[smem:$0x3FB9] =	sst s10  }
0x35: {  	s10 =	sld [smem:$0x3FB8];
	_ =	sdelay $0x3  }
0x36: {  	p1 =	seq.s32 s10, $0x1;
	s10 =	sld [smem:$0x3FB9];
	_ =	sdelay $0x3  }
0x37: {  	[smem:$0x3FB9] =	sst s10  }
0x38: {  	s10 =	sld [smem:$0x3FBA]  }
0x39: {  	_ = 	snop;
	(pc) =	sbr.ind lr, $3  }
0x3a: {  	_ = 	snop  }
0x3b: {  	_ = 	snop  }
0x3c: {  	p2 =	seq.s32 s10, $0x1;
	s10 =	sld [smem:$0x3FB9]  }
0x3d: {  	_ =	shalt  }
0x3e: {  	_ =	shalt  }
0x3f: {  	_ =	shalt  }
0x40: {  	_ =	shalt  }
0x41: {  	_ =	shalt  }
0x42: {  	_ =	shalt  }
0x43: {  	_ =	shalt  }
0x44: {  	_ =	shalt  }
0x45: {  	_ =	shalt  }
0x46: {  	_ =	shalt  }
0x47: {  	_ =	shalt  }
0x48: {  	_ =	shalt  }
0x49: {  	_ =	shalt  }
0x4a: {  	_ =	shalt  }
0x4b: {  	_ =	shalt  }
0x4c: {  	_ =	shalt  }
0x4d: {  	_ =	shalt  }
0x4e: {  	_ =	shalt  }
0x4f: {  	_ =	shalt  }
0x50: {  	_ =	shalt  }
0x51: {  	_ =	shalt  }
0x52: {  	_ =	shalt  }
0x53: {  	_ =	shalt  }
0x54: {  	_ =	shalt  }
0x55: {  	_ =	shalt  }
0x56: {  	_ =	shalt  }
0x57: {  	_ =	shalt  }
0x58: {  	_ =	shalt  }
0x59: {  	_ =	shalt  }
0x5a: {  	_ =	shalt  }
0x5b: {  	_ =	shalt  }
0x5c: {  	_ =	shalt  }
0x5d: {  	_ =	shalt  }
0x5e: {  	_ =	shalt  }
0x5f: {  	_ =	shalt  }
0x60: {  	_ =	shalt  }
0x61: {  	_ =	shalt  }
0x62: {  	_ =	shalt  }
0x63: {  	_ =	shalt  }
0x64: {  	_ =	shalt  }
0x65: {  	_ =	shalt  }
0x66: {  	_ =	shalt  }
0x67: {  	_ =	shalt  }
0x68: {  	_ =	shalt  }
0x69: {  	_ =	shalt  }
0x6a: {  	_ =	shalt  }
0x6b: {  	_ =	shalt  }
0x6c: {  	_ =	shalt  }
0x6d: {  	_ =	shalt  }
0x6e: {  	_ =	shalt  }
0x6f: {  	_ =	shalt  }
0x70: {  	_ =	shalt  }
0x71: {  	_ =	shalt  }
0x72: {  	_ =	shalt  }
0x73: {  	_ =	shalt  }
0x74: {  	_ =	shalt  }
0x75: {  	_ =	shalt  }
0x76: {  	_ =	shalt  }
0x77: {  	_ =	shalt  }
0x78: {  	_ =	shalt  }
0x79: {  	_ =	shalt  }
0x7a: {  	_ =	shalt  }
0x7b: {  	_ =	shalt  }
0x7c: {  	_ =	shalt  }
0x7d: {  	_ =	shalt  }
0x7e: {  	_ =	shalt  }
0x7f: {  	_ =	shalt  }
0x80: {  	_ =	shalt  }
0x81: {  	_ =	shalt  }
0x82: {  	_ =	shalt  }
0x83: {  	_ =	shalt  }
0x84: {  	_ =	shalt  }
0x85: {  	_ =	shalt  }
0x86: {  	_ =	shalt  }
0x87: {  	_ =	shalt  }
.Lfunc_end0:
.L_simem_size_0:
called_computation_lowered:
.L_overlay_start_0:
0x88: {  	s2 =	sld [smem:$0x3FD9]  }
0x89: {  	s3 =	sld [smem:$0x3FFE];
	_ =	sdelay $0x1  }
0x8a: {  	s1 =	srdreg.scid  }
0x8b: {  	s0 =	sand.u32 $0x1, s1  }
0x8c: {  	s17 =	sshll.u32 s0, $0xA;
	s2 =	sadd.s32 s3, s2  }
0x8d: {  	s2 =	sadd.s32 s2, s17  }
0x8e: {  	[smem:$0x3FC5] =	sst s2  }
0x8f: {  	_ = 	snop  }
0x90: {  	s2 =	sld [smem:$0x3FC9]  }
0x91: {  	s18 =	sld [smem:$0x3FC8]  }
0x92: {  	s4 =	sld [smem:$0x3FD0];
	(tm) =	ssettm $0x1  }
0x93: {  	s5 =	sld [smem:$0x3FFB];
	_ =	sdelay $0x3  }
0x94: {  	_ =	strace s5  }
0x95: {  	s5 =	sld [smem:$0x3FFC];
	_ =	sdelay $0x3  }
0x96: {  	_ =	strace s5  }
0x97: {  	s5 =	sld [smem:$0x3FFD];
	_ =	sdelay $0x3  }
0x98: {  	_ =	strace s5  }
0x99: {  	_ =	strace $0x8FFFFFFF  }
0x9a: {  	s19 =	sld [smem:$0x3FDB];
	_ =	sdelay $0x1  }
0x9b: {  	s6 =	simm.s32 $_scs_section_size  }
0x9c: {  	s7 =	simm.s32 $_size__tile_overlayer_lowered;
	s8 =	simm.s32 $_tile_overlayer_lowered  }
0x9d: {  	s22 =	simm.s32 $0x1BFF;
	s21 =	sshll.u32 s8, $0x1;
	s5 =	sadd.s32 s6, s19  }
0x9e: {  	s9 =	simm.s32 $0x0;
	s20 =	sshll.u32 s7, $0x1;
	s7 =	sadd.s32 s21, s5  }
0x9f: {  	[timem:s9], [sflag:s22] =	dma.local [hbm:s7], s20  }
0xa0: {  	_ =	swait.ge [sflag:s22], s20  }
0xa1: {  	s6 =	ssub.s32 $0x0, s20;
	[sflag:s22] =	ssyncset.done $0x0  }
0xa2: {  	[sflag:s22] =	ssyncadd.s32 s6;
	_ =	sdelay $0x1  }
0xa3: {  	s23 =	simm.s32 $0x1B8B  }
0xa4: {  	_ =	swait.ge [sflag:s23], $0x1  }
0xa5: {  	[sflag:s23] =	ssyncset.done $0x0  }
0xa6: {  	s25 =	simm.s32 $0x1B8E;
	s24 =	sld [smem:$0x3FFE];
	[sflag:s23] =	ssyncadd.s32 $0xFFFFFFFF  }
0xa7: {  	s26 =	simm.s32 $execute0_lowered;
	[smem:$0x3FD2] =	sst s25  }
0xa8: {  	s7 =	sshll.u32 s26, $0x1;
	_ =	strace $0x80000046;
	[dreg:$0x1] =	wrdreg $0xFFFFFFFF  }
0xa9: {  	s28 =	simm.s32 $_size_execute0_lowered;
	s5 =	sadd.s32 s5, s7;
	[dreg:$0x0] =	wrdreg $0x0  }
0xaa: {  	s7 =	sshll.u32 s28, $0x1;
	[dreg:$0x2] =	wrdreg s5  }
0xab: {  	[dreg:$0x3] =	wrdreg s7  }
0xac: {  	[dreg:$0x4] =	wrdreg $0xC0  }
0xad: {  	_ =	task [dreg:s9], $0x5FFFF  }
0xae: {  	[dreg:$0x1] =	wrdreg $0xFFFFFFFF  }
0xaf: {  	[dreg:$0x0] =	wrdreg $0x60  }
0xb0: {  	[dreg:$0x2] =	wrdreg s2  }
0xb1: {  	[dreg:$0x3] =	wrdreg s18  }
0xb2: {  	[dreg:$0x4] =	wrdreg s24  }
0xb3: {  	[dreg:$0x5] =	wrdreg s4  }
0xb4: {  	[dreg:$0x6] =	wrdreg $0x9  }
0xb5: {  	_ =	task.clear_ibuf [dreg:s9], $0x7FFFF;
	_ =	strace $0x90000046  }
0xb6: {  	s29 =	simm.s32 $0x9;
	_ =	strace $0x80000048  }
0xb7: {  	_ =	swait.ge [sflag:s29], $0x1  }
0xb8: {  	[sflag:s29] =	ssyncadd.s32 $0xFFFFFFFF  }
0xb9: {  	_ =	strace $0x90000048  }
0xba: {  	_ =	sfence  }
0xbb: {  	s30 =	sld [smem:$0x0];
	_ =	sdelay $0x2  }
0xbc: {  	s31 =	sshll.u32 s1, $0xD;
	s1 =	sshrl.u32 s1, $0x2  }
0xbd: {  	s3 =	sand.u32 $0x4000, s31;
	s1 =	sadd.s32 s1, s30  }
0xbe: {  	s0 =	sor.u32 s3, s0;
	s1 =	sshll.u32 s1, $0x11  }
0xbf: {  	s0 =	sor.u32 s1, s0  }
0xc0: {  	s0 =	sadd.s32 $0x8F2B, s0  }
0xc1: {  	[sflag:s0] =	ssyncadd.remote.s32 $0x1  }
0xc2: {  	_ =	sfence.sel $0xFFFF  }
0xc3: {  	[dreg:$0x0] =	wrdreg $0xFFFFFFFF;
	(pc) =	sbr.abs _section_cstart, $3  }
0xc4: {  	[dreg:$0x1] =	wrdreg $0xFFFFFFFF  }
0xc5: {  	_ =	task.clear_ibuf [dreg:s9], $0x2FFFF;
	_ =	strace $0x9FFFFFFF  }
0xc6: {  	(tm) =	ssettm $0x7FFFFFFF  }
0xc7: {  	_ =	shalt  }
tec
execute0_lowered:
.L_overlay_start_1:
0x0: {  	(tag) =	ssettag $0x1  }
0x1: {  	s1 =	rddreg [dreg:$0x0]  }
0x2: {  	s2 =	rddreg [dreg:$0x1]  }
0x3: {  	s3 =	srdreg.scid;
	s7 =	rddreg [dreg:$0x2]  }
0x4: {  	s0 =	stileid.u32;
	s4 =	rddreg [dreg:$0x3]  }
0x5: {  	s6 =	simm.s32 $0x0;
	s13 =	simm.s32 $0x2710;
	s14 =	simm.s32 $0x1  }
0x6: {  	s15 =	simm.s32 $0x6400;
	s16 =	simm.s32 $0x6500;
	s17 =	simm.s32 $0x6680  }
0x7: {  	s8 =	sand.u32 $0x1, s3;
	s30 =	sshll.u32 s0, $0x1;
	s3 =	rddreg [dreg:$0x4]  }
0x8: {  	s18 =	simm.s32 $0x0;
	[smem:$0x7FF] =	sst s6;
	s5 =	sor.u32 s8, s30  }
0x9: {  	s7 =	sadd.s32 $0x400, s7;
	s8 =	ssub.s32 $0x2, s8;
	s9 =	smul.u32 $0x2710, s5  }
.Ltmp0:
0xa: {  	_ =	strace $0x80000047;
	s10 =	sshrl.u32 s8, $0x1;
	(pc) =	sbr.rel .LBB2_1-.Ltmp0, $4  }
0xb: {  	p0 =	seq.s32 s5, $0x0;
	s12 =	ssub.s32 s8, s10;
	s11 =	sadd.s32 $0xFFFFFFF8, s9  }
0xc: {  	s31 =	sshrl.u32 s11, $0x3;
	s11 =	smax.u32 s12, $0x1;
	s12 =	simm.s32 @!p0 $0x0  }
0xd: {  	s8 =	sadd.s32 $0x2710, s9;
	s9 =	smul.u32 $0x32, s5;
	s12 =	simm.s32 @p0 $0x1  }
0xe: {  	v0 =	vimm.f32 $0.0e+00;
	v1 =	vimm.f32 $-Inf;
	v2 =	vimm.s32 $0xFFFFFFFF;
	s10 =	sadd.s32 s2, s31;
	[smem:$0x7FD] =	sst s12;
	s12 =	simm.s32 $0xFFFFFFFF  }
.LBB2_15:
0xf: {  	[sflag:s14] =	ssyncset.done $0x0  }
0x10: {  	[sflag:s14] =	ssyncadd.s32 $0xFFFFFF80  }
.LBB2_16:
0x11: {  	s18 =	sadd.s32 $0x1, s18  }
0x12: {  	p0 =	sne.s32 s18, s11  }
.Ltmp1:
0x13: {  	_ = 	snop;
	(pc) =	sbr.rel @!p0 .LBB2_17-.Ltmp1, $1  }
0x14: {  	_ =	sdelay $0x3  }
.LBB2_1:
0x15: {  	[tilespmem:$0x6680] =	vst v0  }
0x16: {  	[tilespmem:$0x6780] =	vst v1  }
0x17: {  	[tilespmem:$0x6690] =	vst v0  }
0x18: {  	[tilespmem:$0x6790] =	vst v1  }
0x19: {  	[tilespmem:$0x66A0] =	vst v0  }
0x1a: {  	[tilespmem:$0x67A0] =	vst v1  }
0x1b: {  	[tilespmem:$0x66B0] =	vst v0  }
0x1c: {  	[tilespmem:$0x67B0] =	vst v1  }
0x1d: {  	[tilespmem:$0x66C0] =	vst v0  }
0x1e: {  	[tilespmem:$0x67C0] =	vst v1  }
0x1f: {  	[tilespmem:$0x66D0] =	vst v0  }
0x20: {  	[tilespmem:$0x67D0] =	vst v1  }
0x21: {  	[tilespmem:$0x66E0] =	vst v0;
	s19 =	sld [smem:$0x7FD]  }
0x22: {  	[tilespmem:$0x67E0] =	vst v1  }
0x23: {  	[tilespmem:$0x66F0] =	vst v0;
	[smem:$0x0] =	sst s6  }
0x24: {  	[tilespmem:$0x67F0] =	vst v1;
	[smem:$0x1] =	sst s12;
	p0 =	seq.s32 s19, $0x1  }
0x25: {  	[tilespmem:$0x6700] =	vst v2;
	[smem:$0x2] =	sst s6;
	s19 =	simm.s32 @!p0 $0x0;
	s20 =	simm.s32 @!p0 $0x6700  }
0x26: {  	[tilespmem:s20], [sflag:$0x1] =	stream.linear.gather @!p0 [hbm4b:s10+s19], $0x8, $0x38;
	[tilespmem:$0x6800] =	vst v63  }
0x27: {  	[smem:$0x3] =	sst s13;
	s19 =	simm.s32 @!p0 $0x1  }
0x28: {  	_ =	swait.ge @!p0 [sflag:s19], $0x8  }
0x29: {  	[sflag:s19] =	ssyncset.done @!p0 $0x0  }
0x2a: {  	[sflag:s19] =	ssyncadd.s32 @!p0 $0xFFFFFFF8  }
0x2b: {  	v3 =	vld [tilespmem:$0x6700];
	_ =	sdelay $0x4  }
0x2c: {  	(v2sf) =	vpush v3, $0x7;
	_ =	sdelay $0xb  }
.Ltmp2:
0x2d: {  	_ = 	snop;
	(pc) =	sbr.rel .LBB2_2-.Ltmp2, $4  }
0x2e: {  	_ = 	snop  }
0x2f: {  	s25 =	simm.s32 $0x0  }
0x30: {  	s22 =	simm.s32 $0xFFFFFFFF;
	s23 =	simm.s32 $0x0;
	s20 =	spop (v2sf)  }
0x31: {  	s21 =	smov.u32 s9;
	s19 =	simm.s32 $0x2710;
	s20 =	simm.s32 @p0 $0xFFFFFFFF  }
.LBB2_10:
0x32: {  	[tilespmem:$0x6780] =	vst v3  }
0x33: {  	[tilespmem:$0x6790] =	vst v4  }
0x34: {  	[tilespmem:$0x67A0] =	vst v5  }
0x35: {  	s25 =	simm.s32 $0x1;
	[tilespmem:$0x67B0] =	vst v7  }
0x36: {  	[smem:$0x1] =	sst s22;
	[tilespmem:$0x67C0] =	vst v6;
	s25 =	simm.s32 @!p1 $0x0  }
0x37: {  	s23 =	simm.s32 $0x1;
	[tilespmem:$0x67D0] =	vst v9;
	[smem:$0x2] =	sst s25  }
0x38: {  	[tilespmem:$0x67E0] =	vst v8;
	s23 =	simm.s32 @!p6 $0x0;
	[smem:$0x3] =	sst s19  }
0x39: {  	[tilespmem:$0x67F0] =	vst v10;
	[smem:$0x0] =	sst s23  }
.LBB2_11:
0x3a: {  	s21 =	sadd.s32 $0x1, s21  }
0x3b: {  	p0 =	sne.s32 s21, $0x640  }
.Ltmp3:
0x3c: {  	_ = 	snop;
	(pc) =	sbr.rel @!p0 .LBB2_12-.Ltmp3, $1  }
0x3d: {  	_ =	sdelay $0x3  }
.LBB2_2:
0x3e: {  	p0 =	sne.s32 s23, $0x0  }
.Ltmp4:
0x3f: {  	_ = 	snop;
	(pc) =	sbr.rel @p0 .LBB2_11-.Ltmp4, $2  }
0x40: {  	_ =	sdelay $0x2  }
0x41: {  	s23 =	simm.s32 $0x1  }
0x42: {  	s24 =	smul.u32 $0xC80, s21;
	_ =	sdelay $0x1  }
0x43: {  	s23 =	smul.u32 $0xC8, s21;
	s26 =	sadd.s32 s1, s24;
	s24 =	simm.s32 $0x0  }
0x44: {  	[tilespmem:s24], [sflag:$0x1] =	stream.linear.gather [hbm4b:s26+s24], $0x6400, $0x38;
	[tilespmem:$0x6800] =	vst v63  }
0x45: {  	_ =	swait.ge [sflag:s14], $0x6400  }
0x46: {  	s31 =	sshrl.u32 s23, $0x3;
	[sflag:s14] =	ssyncset.done $0x0  }
0x47: {  	s28 =	sadd.s32 s2, s31;
	[sflag:s14] =	ssyncadd.s32 $0xFFFF9C00  }
0x48: {  	[tilespmem:s15], [sflag:$0x1] =	stream.linear.gather [hbm4b:s28+s24], $0xC8, $0x38;
	[tilespmem:$0x6800] =	vst v63  }
0x49: {  	_ =	swait.ge [sflag:s14], $0xC8  }
0x4a: {  	[sflag:s14] =	ssyncset.done $0x0  }
0x4b: {  	s26 =	sadd.s32 s7, s31;
	[sflag:s14] =	ssyncadd.s32 $0xFFFFFF38  }
0x4c: {  	[tilespmem:s16], [sflag:$0x1] =	stream.linear.gather [hbm4b:s26+s24], $0xC8, $0x38;
	[tilespmem:$0x6800] =	vst v63  }
0x4d: {  	_ =	swait.ge [sflag:s14], $0xC8  }
0x4e: {  	[sflag:s14] =	ssyncset.done $0x0  }
0x4f: {  	[sflag:s14] =	ssyncadd.s32 $0xFFFFFF38  }
0x50: {  	v3 =	vld [tilespmem:$0x6780]  }
0x51: {  	v4 =	vld [tilespmem:$0x6790]  }
0x52: {  	v5 =	vld [tilespmem:$0x67A0]  }
.Ltmp5:
0x53: {  	v7 =	vld [tilespmem:$0x67B0];
	(pc) =	sbr.rel .LBB2_4-.Ltmp5, $4  }
0x54: {  	v6 =	vld [tilespmem:$0x67C0]  }
0x55: {  	v9 =	vld [tilespmem:$0x67D0]  }
0x56: {  	v8 =	vld [tilespmem:$0x67E0]  }
0x57: {  	p1 =	sne.s32 s25, $0x0;
	p3 =	por $0x0, $0x0;
	v10 =	vld [tilespmem:$0x67F0]  }
.LBB2_5:
0x58: {  	s28 =	sld [smem:$0x7FC]  }
0x59: {  	s31 =	sld [smem:$0x7FB]  }
0x5a: {  	v7 =	vpsel p5, $0xFF800000, v7;
	v5 =	vpsel p5, $0xFF800000, v5  }
0x5b: {  	v4 =	vpsel p5, $0xFF800000, v4;
	v3 =	vpsel p5, $0xFF800000, v3;
	v6 =	vpsel p5, $0xFF800000, v6  }
0x5c: {  	s22 =	smov.u32 @p5 s25;
	v9 =	vpsel p5, $0xFF800000, v9;
	v8 =	vpsel p5, $0xFF800000, v8;
	p6 =	seq.s32 s28, $0x1;
	p2 =	seq.s32 s31, $0x1;
	v10 =	vpsel p5, $0xFF800000, v10  }
.LBB2_9:
0x5d: {  	s28 =	sshll.u32 s24, $0x7  }
0x5e: {  	s28 =	sand.u32 $0x3FFFFF80, s28  }
0x5f: {  	v11 =	vld [tilespmem:s28+$0x0]  }
0x60: {  	v12 =	vld [tilespmem:s28+$0x10]  }
0x61: {  	v13 =	vld [tilespmem:s28+$0x20]  }
0x62: {  	v14 =	vld [tilespmem:s28+$0x30]  }
0x63: {  	v16 =	vld [tilespmem:s28+$0x50]  }
0x64: {  	s26 =	ssub.s32 $0x1, s26;
	v17 =	vld [tilespmem:s28+$0x60]  }
0x65: {  	s26 =	scvt.s32.f32 s26;
	v18 =	vld [tilespmem:s28+$0x70]  }
0x66: {  	v15 =	vld [tilespmem:s28+$0x40]  }
0x67: {  	v11 =	vmul.f32 s26, v11;
	v12 =	vmul.f32 s26, v12  }
0x68: {  	v13 =	vmul.f32 s26, v13;
	v14 =	vmul.f32 s26, v14  }
0x69: {  	p0 =	por !p3, !p3;
	s24 =	sadd.s32 $0x1, s24;
	v59 =	vmul.f32 s26, v16;
	v60 =	vmul.f32 s26, v17  }
0x6a: {  	p0 =	por !p2, !p0;
	p2 =	sne.s32 s24, $0xC8;
	v61 =	vmul.f32 s26, v18;
	v11 =	vmax.f32 v3, v11;
	v12 =	vmax.f32 v4, v12  }
.Ltmp6:
0x6b: {  	v57 =	vmax.f32 v5, v13;
	v3 =	vpsel p4, v11, v3;
	v11 =	vmul.f32 s26, v15;
	(pc) =	sbr.rel @!p2 .LBB2_10-.Ltmp6, $4  }
0x6c: {  	v58 =	vmax.f32 v7, v14;
	v62 =	vmax.f32 v8, v60;
	v63 =	vmax.f32 v10, v61  }
0x6d: {  	v4 =	vpsel p4, v12, v4;
	v5 =	vpsel p4, v57, v5;
	v11 =	vmax.f32 v6, v11  }
0x6e: {  	p0 =	por !p0, !p0;
	v7 =	vpsel p4, v58, v7;
	v6 =	vpsel p4, v11, v6;
	v11 =	vmax.f32 v9, v59  }
0x6f: {  	p1 =	por p1, p5;
	p3 =	por p6, p6;
	s19 =	smov.u32 @p0 s25;
	v8 =	vpsel p4, v62, v8;
	v10 =	vpsel p4, v63, v10;
	v9 =	vpsel p4, v11, v9  }
.LBB2_4:
0x70: {  	v11 =	vld [tilespmem:s24+$0x6400];
	_ =	sdelay $0x4  }
0x71: {  	(v2sf) =	vpush v11, $0x0;
	_ =	sdelay $0xe  }
0x72: {  	s25 =	spop (v2sf)  }
0x73: {  	s26 =	sadd.s32 s23, s24;
	p2 =	por !p1, !p1;
	p0 =	sne.s32 s25, s22  }
0x74: {  	p4 =	sge.u32 s26, s8;
	p2 =	por p0, p2  }
0x75: {  	p2 =	por !p4, !p2  }
0x76: {  	p2 =	por !p2, !p2  }
0x77: {  	s26 =	simm.s32 @!p2 $0x0  }
0x78: {  	p6 =	sne.s32 s25, s20;
	s26 =	simm.s32 @p2 $0x1;
	p2 =	por p3, p2  }
0x79: {  	p4 =	por p6, p2  }
0x7a: {  	p5 =	por p1, p4  }
0x7b: {  	p4 =	por !p5, !p5  }
0x7c: {  	v11 =	vld [tilespmem:s24+$0x6500];
	p4 =	por @!p2 p5, p5  }
0x7d: {  	p0 =	por !p0, !p4  }
0x7e: {  	p5 =	por !p0, !p0  }
0x7f: {  	p0 =	slt.s32 @p5 s22, $0x0  }
0x80: {  	p0 =	por p0, !p5  }
0x81: {  	(v2sf) =	vpush v11, $0x0;
	[tilespmem:$0x6600] =	vst @!p0 v3  }
0x82: {  	[tilespmem:$0x6610] =	vst @!p0 v4  }
0x83: {  	[tilespmem:$0x6620] =	vst @!p0 v5  }
0x84: {  	[smem:$0x7FB] =	sst s26;
	s26 =	simm.s32 @!p2 $0x0;
	[tilespmem:$0x6630] =	vst @!p0 v7  }
0x85: {  	s26 =	simm.s32 @p2 $0x1;
	[tilespmem:$0x6640] =	vst @!p0 v6  }
0x86: {  	[smem:$0x7FC] =	sst s26;
	[tilespmem:$0x6650] =	vst @!p0 v9;
	s26 =	sshll.u32 @!p0 s22, $0x4  }
0x87: {  	p6 =	seq.s32 @p5 s5, $0x0;
	[tilespmem:$0x6660] =	vst @!p0 v8;
	s26 =	sand.u32 @!p0 $0x1FFFFFF0, s26  }
0x88: {  	[tilespmem:$0x6670] =	vst @!p0 v10;
	s28 =	simm.s32 @!p0 $0x0;
	s29 =	simm.s32 @!p0 $0x6600;
	s26 =	sadd.s32 @!p0 s4, s26  }
0x89: {  	[hbm4b:s26+s28] =	stream.linear.scatter @!p0 [tilespmem:s29], [sflag:$0x1], $0x80, $0x38;
	[tilespmem:$0x6800] =	vst v63  }
0x8a: {  	p2 =	sgt.s32 @p5 s22, $0xFFFFFFFF;
	p6 =	por !p6, !p5;
	s29 =	smov.u32 s25  }
0x8b: {  	p2 =	por !p2, !p5;
	s28 =	sadd.s32 @p5 $0x1, s22;
	s29 =	simm.s32 @!p6 $0x0  }
0x8c: {  	s28 =	smov.u32 @p2 s29  }
0x8d: {  	p2 =	sle.s32 @p5 s25, s28  }
0x8e: {  	p2 =	por !p5, p2  }
.Ltmp7:
0x8f: {  	_ = 	snop;
	(pc) =	sbr.rel @p2 .LBB2_5-.Ltmp7, $4  }
0x90: {  	s30 =	simm.s32 @!p0 $0x1;
	s26 =	spop (v2sf)  }
0x91: {  	_ =	swait.ge @!p0 [sflag:s30], $0x80  }
0x92: {  	[sflag:s30] =	ssyncset.done @!p0 $0x0  }
0x93: {  	[sflag:s30] =	ssyncadd.s32 @!p0 $0xFFFFFF80  }
0x94: {  	s29 =	sshll.u32 s28, $0x4;
	s28 =	ssub.s32 s25, s28  }
0x95: {  	p0 =	sne.s32 s28, $0x1  }
.Ltmp8:
0x96: {  	_ = 	snop;
	(pc) =	sbr.rel @!p0 .LBB2_8-.Ltmp8, $4  }
0x97: {  	s22 =	sand.u32 $0x1FFFFFF0, s29  }
0x98: {  	s22 =	sadd.s32 s4, s22  }
0x99: {  	[hbm4b:s22+s6] =	stream.linear.scatter [tilespmem:s17], [sflag:$0x1], $0x80, $0x38;
	[tilespmem:$0x6800] =	vst v63  }
0x9a: {  	s22 =	sadd.s32 $0xFFFFFFFF, s28;
	s28 =	sadd.s32 $0x10, s29;
	_ =	swait.ge [sflag:s14], $0x80  }
.LBB2_7:
0x9b: {  	s29 =	sand.u32 $0x1FFFFFF0, s28;
	[sflag:s14] =	ssyncset.done $0x0;
	p0 =	sne.s32 s22, $0x1  }
.Ltmp9:
0x9c: {  	s29 =	sadd.s32 s4, s29;
	[sflag:s14] =	ssyncadd.s32 $0xFFFFFF80;
	(pc) =	sbr.rel @p0 .LBB2_7-.Ltmp9, $3  }
0x9d: {  	[hbm4b:s29+s6] =	stream.linear.scatter [tilespmem:s17], [sflag:$0x1], $0x80, $0x38;
	[tilespmem:$0x6800] =	vst v63  }
0x9e: {  	s22 =	sadd.s32 $0xFFFFFFFF, s22;
	_ =	sdelay $0x1  }
0x9f: {  	s28 =	sadd.s32 $0x10, s28;
	_ =	swait.ge [sflag:s14], $0x80  }
.LBB2_8:
.Ltmp10:
0xa0: {  	s28 =	sld [smem:$0x7FC];
	(pc) =	sbr.rel .LBB2_9-.Ltmp10, $4  }
0xa1: {  	s31 =	sld [smem:$0x7FB]  }
0xa2: {  	v10 =	vimm.f32 $-Inf;
	v8 =	vimm.f32 $-Inf  }
0xa3: {  	[sflag:s14] =	ssyncset.done $0x0;
	v9 =	vimm.f32 $-Inf;
	v6 =	vimm.f32 $-Inf;
	v7 =	vimm.f32 $-Inf;
	s22 =	smov.u32 s25  }
0xa4: {  	v5 =	vimm.f32 $-Inf;
	v4 =	vimm.f32 $-Inf;
	v3 =	vimm.f32 $-Inf;
	[sflag:s14] =	ssyncadd.s32 $0xFFFFFF80;
	p6 =	seq.s32 s28, $0x1;
	p2 =	seq.s32 s31, $0x1  }
.LBB2_12:
0xa5: {  	p1 =	slt.s32 s22, $0x0  }
0xa6: {  	v3 =	vld @!p1 [tilespmem:$0x6780]  }
0xa7: {  	v4 =	vld @!p1 [tilespmem:$0x6790]  }
0xa8: {  	v5 =	vld @!p1 [tilespmem:$0x67A0]  }
0xa9: {  	v6 =	vld @!p1 [tilespmem:$0x67B0]  }
0xaa: {  	v7 =	vld @!p1 [tilespmem:$0x67C0]  }
0xab: {  	v8 =	vld @!p1 [tilespmem:$0x67D0];
	[tilespmem:$0x6600] =	vst @!p1 v3  }
0xac: {  	v3 =	vld @!p1 [tilespmem:$0x67E0];
	[tilespmem:$0x6610] =	vst @!p1 v4  }
0xad: {  	v4 =	vld @!p1 [tilespmem:$0x67F0];
	[tilespmem:$0x6620] =	vst @!p1 v5  }
0xae: {  	[tilespmem:$0x6630] =	vst @!p1 v6  }
0xaf: {  	[tilespmem:$0x6640] =	vst @!p1 v7  }
0xb0: {  	s20 =	sshll.u32 @!p1 s22, $0x4;
	[tilespmem:$0x6650] =	vst @!p1 v8  }
0xb1: {  	s31 =	sld [smem:$0x7FD];
	s20 =	sand.u32 @!p1 $0x1FFFFFF0, s20;
	[tilespmem:$0x6660] =	vst @!p1 v3  }
0xb2: {  	s21 =	simm.s32 @!p1 $0x0;
	s23 =	simm.s32 @!p1 $0x6600;
	s20 =	sadd.s32 @!p1 s4, s20;
	[tilespmem:$0x6670] =	vst @!p1 v4  }
0xb3: {  	[hbm4b:s20+s21] =	stream.linear.scatter @!p1 [tilespmem:s23], [sflag:$0x1], $0x80, $0x38;
	[tilespmem:$0x6800] =	vst v63  }
0xb4: {  	p2 =	seq.s32 s31, $0x1;
	s20 =	smov.u32 s19  }
0xb5: {  	p0 =	sgt.s32 s22, $0xFFFFFFFF;
	s22 =	sadd.s32 $0x1, s22;
	s20 =	simm.s32 @p2 $0x0  }
0xb6: {  	s20 =	smov.u32 @p0 s22  }
0xb7: {  	p0 =	sge.s32 s20, s19  }
.Ltmp11:
0xb8: {  	_ = 	snop;
	(pc) =	sbr.rel @p0 .LBB2_16-.Ltmp11, $4  }
0xb9: {  	s21 =	simm.s32 @!p1 $0x1  }
0xba: {  	_ =	swait.ge @!p1 [sflag:s21], $0x80  }
0xbb: {  	[sflag:s21] =	ssyncset.done @!p1 $0x0  }
0xbc: {  	[sflag:s21] =	ssyncadd.s32 @!p1 $0xFFFFFF80  }
0xbd: {  	s19 =	ssub.s32 s19, s20  }
0xbe: {  	p0 =	sne.s32 s19, $0x1  }
.Ltmp12:
0xbf: {  	s21 =	sshll.u32 s20, $0x4;
	(pc) =	sbr.rel @!p0 .LBB2_15-.Ltmp12, $4  }
0xc0: {  	s22 =	sand.u32 $0x1FFFFFF0, s21  }
0xc1: {  	s31 =	sadd.s32 s4, s22  }
0xc2: {  	[hbm4b:s31+s6] =	stream.linear.scatter [tilespmem:s17], [sflag:$0x1], $0x80, $0x38;
	[tilespmem:$0x6800] =	vst v63  }
0xc3: {  	s19 =	sadd.s32 $0xFFFFFFFF, s19;
	s20 =	sadd.s32 $0x10, s21;
	_ =	swait.ge [sflag:s14], $0x80  }
.LBB2_14:
0xc4: {  	s21 =	sand.u32 $0x1FFFFFF0, s20;
	[sflag:s14] =	ssyncset.done $0x0;
	p0 =	sne.s32 s19, $0x1  }
.Ltmp13:
0xc5: {  	s21 =	sadd.s32 s4, s21;
	[sflag:s14] =	ssyncadd.s32 $0xFFFFFF80;
	(pc) =	sbr.rel @p0 .LBB2_14-.Ltmp13, $3  }
0xc6: {  	[hbm4b:s21+s6] =	stream.linear.scatter [tilespmem:s17], [sflag:$0x1], $0x80, $0x38;
	[tilespmem:$0x6800] =	vst v63  }
0xc7: {  	s19 =	sadd.s32 $0xFFFFFFFF, s19;
	_ =	sdelay $0x1  }
0xc8: {  	s20 =	sadd.s32 $0x10, s20;
	_ =	swait.ge [sflag:s14], $0x80  }
.Ltmp14:
0xc9: {  	_ = 	snop;
	(pc) =	sbr.rel .LBB2_15-.Ltmp14, $1  }
0xca: {  	_ =	sdelay $0x3  }
.LBB2_17:
0xcb: {  	_ =	sfence.sel $0x180000  }
0xcc: {  	[bflag:$0x0] =	sbarrier.arrive $0xFFFF  }
0xcd: {  	p0 =	sne.s32 s0, $0x0;
	_ =	strace $0x90000047  }
0xce: {  	s0 =	sadd.s32 @!p0 $0x100000, s3;
	[bflag:$0x2] =	sbarrier.arrive $0xFFFF  }
0xcf: {  	[sflag:s0] =	ssyncadd.tile.s32 @!p0 $0x1;
	_ =	shalt  }
.Lfunc_end2:
_tile_overlayer_lowered:
.L_overlay_start_2:
0xd0: {  	(tag) =	ssettag $0x2  }
0xd1: {  	s0 =	rddreg [dreg:$0x0];
	s2 =	stileid.u32  }
0xd2: {  	s1 =	rddreg [dreg:$0x1];
	p0 =	sne.s32 s2, $0x0  }
0xd3: {  	s3 =	rddreg [dreg:$0x2];
	[bflag:$0x3] =	sbarrier.arrive $0xFFFF;
	s2 =	simm.s32 @!p0 $0x1C01  }
0xd4: {  	[timem:s3], [sflag:s2] =	dma.local @!p0 [hbm:s0], s1  }
0xd5: {  	s0 =	simm.s32 @!p0 $0x1  }
0xd6: {  	_ =	swait.ge @!p0 [sflag:s0], s1  }
0xd7: {  	s1 =	ssub.s32 @!p0 $0x0, s1;
	[sflag:s0] =	ssyncset.done @!p0 $0x0  }
0xd8: {  	[sflag:s0] =	ssyncadd.s32 @!p0 s1  }
0xd9: {  	[bflag:$0x3] =	sbarrier.arrive $0xFFFF  }
0xda: {  	_ =	shalt  }

</sc_bundles>
